<compile_context>
chip_gen: v7x
topology: tpu7x:2x2x1
jax: 0.10.2.dev20260603
libtpu: 0.0.44.dev20260713+nightly
codegen_flags: <defaults>
</compile_context>

<pallas_src>
import functools

import jax
import jax.numpy as jnp
from jax import lax
from jax.experimental import pallas as pl
from jax.experimental.pallas import tpu as pltpu
from jax.experimental.pallas import tpu_sc as plsc

B = 16384
K = 32
TPR = 8
FIRE = 16


@functools.cache
def _sc_gather4():
    info = plsc.get_sparse_core_info()
    nc, ns = info.num_cores, info.num_subcores
    nw = nc * ns
    bpw = B // nw
    mesh = plsc.VectorSubcoreMesh(core_axis_name="c", subcore_axis_name="s")

    @functools.partial(
        pl.kernel,
        mesh=mesh,
        out_type=[jax.ShapeDtypeStruct((B, K), jnp.float32)] * 4,
        scratch_types=[
            pltpu.VMEM((bpw,), jnp.int32),
            pltpu.VMEM((bpw,), jnp.int32),
            pltpu.VMEM((bpw,), jnp.int32),
            pltpu.VMEM((bpw,), jnp.int32),
            pltpu.VMEM((bpw, K), jnp.float32),
            pltpu.SemaphoreType.DMA,
        ],
        compiler_params=pltpu.CompilerParams(needs_layout_passes=False),
    )
    def gather4(u3, i3, t3, uix, iix, pix, nix,
                out_u, out_i, out_p, out_n,
                iv0, iv1, iv2, iv3, stage, sem):
        wid = lax.axis_index("s") * nc + lax.axis_index("c")
        sl = pl.ds(wid * bpw, bpw)
        pltpu.sync_copy(uix.at[sl], iv0)
        pltpu.sync_copy(iix.at[sl], iv1)
        pltpu.sync_copy(pix.at[sl], iv2)
        pltpu.sync_copy(nix.at[sl], iv3)

        for src, ivr, outr in ((u3, iv0, out_u), (i3, iv1, out_i),
                               (t3, iv2, out_p), (t3, iv3, out_n)):
            def fire(kblk, carry, src=src, ivr=ivr):
                kb = kblk * FIRE
                idxv = ivr[pl.ds(kb, FIRE)]
                gvv = lax.shift_right_logical(idxv, 3)
                svv = lax.bitwise_and(idxv, TPR - 1)
                for j in range(FIRE):
                    pltpu.async_copy(src.at[gvv[j], pl.ds(svv[j], 1)],
                                     stage.at[pl.ds(kb + j, 1)], sem)
                return carry

            lax.fori_loop(0, bpw // FIRE, fire, 0)
            pltpu.make_async_copy(outr.at[sl], stage, sem).wait()
            pltpu.sync_copy(stage, outr.at[sl])

    return gather4


def _tc_body(u_ref, i_ref, p_ref, n_ref, wu_ref, wi_ref, bu_ref, bi_ref, o_ref):
    t = p_ref[...]
    nt = n_ref[...]
    wu = wu_ref[...]
    wi = wi_ref[...]
    bu = bu_ref[...]
    bi = bi_ref[...]
    dot = functools.partial(jnp.dot, preferred_element_type=jnp.float32)
    su = jax.nn.sigmoid(dot(t, wu) + bu)
    si = jax.nn.sigmoid(dot(t, wi) + bi)
    snu = jax.nn.sigmoid(dot(nt, wu) + bu)
    sni = jax.nn.sigmoid(dot(nt, wi) + bi)
    o_ref[...] = jnp.sum(u_ref[...] * (su - snu) + i_ref[...] * (si - sni), axis=1)


def _tc_dense(u, i, p, n, wut, wit, bu2, bi2):
    blk = 4096
    row_spec = pl.BlockSpec((blk, K), lambda b: (b, 0))
    full_spec = pl.BlockSpec((K, K), lambda b: (0, 0))
    bias_spec = pl.BlockSpec((1, K), lambda b: (0, 0))
    return pl.pallas_call(
        _tc_body,
        grid=(B // blk,),
        in_specs=[row_spec, row_spec, row_spec, row_spec,
                  full_spec, full_spec, bias_spec, bias_spec],
        out_specs=pl.BlockSpec((blk,), lambda b: (b,)),
        out_shape=jax.ShapeDtypeStruct((B,), jnp.float32),
    )(u, i, p, n, wut, wit, bu2, bi2)


def kernel(x, userVecs, itemVecs, tagVecs, Wu, bu, Wi, bi):
    x32 = x.astype(jnp.int32)
    uidx = x32[:, 0]
    iidx = x32[:, 1]
    pidx = x32[:, 2]
    nidx = x32[:, 3]
    u3 = userVecs.reshape(-1, TPR, K)
    i3 = itemVecs.reshape(-1, TPR, K)
    t3 = tagVecs.reshape(-1, TPR, K)
    gu, gi, gp, gn = _sc_gather4()(u3, i3, t3, uidx, iidx, pidx, nidx)
    return _tc_dense(gu, gi, gp, gn, Wu.T, Wi.T,
                     bu.reshape(1, K), bi.reshape(1, K))

# --- scband reference (transcript-rebuilt; emitter-appended) ---
"""Pipeline reference for scband-trans-pitf-1211180777751 (READ-ONLY COPY).

The authoritative reference and input builder live on the scoring server;
editing this copy changes nothing except your own understanding.
"""

import jax, jax.numpy as jnp
import numpy as np

NUM_USER = 1000000
NUM_ITEM = 1000000
NUM_TAG = 1000000
K = 32
BATCH = 16384
INIT_ST = 0.01


def setup_inputs(seed: int = 0) -> dict:
    key = jax.random.key(seed)
    ks = jax.random.split(key, 8)
    x = jax.random.randint(ks[0], (BATCH, 4), 0, NUM_TAG)
    userVecs = jax.random.normal(ks[1], (NUM_USER, K), dtype=jnp.float32) * INIT_ST
    itemVecs = jax.random.normal(ks[2], (NUM_ITEM, K), dtype=jnp.float32) * INIT_ST
    tagVecs = jax.random.normal(ks[3], (NUM_TAG, K), dtype=jnp.float32) * INIT_ST
    lim = np.sqrt(3.0 / K)
    Wu = jax.random.uniform(ks[4], (K, K), dtype=jnp.float32, minval=-lim, maxval=lim)
    bu = jnp.zeros((K,), dtype=jnp.float32)
    Wi = jax.random.uniform(ks[5], (K, K), dtype=jnp.float32, minval=-lim, maxval=lim)
    bi = jnp.zeros((K,), dtype=jnp.float32)
    return {"x": x, "userVecs": userVecs, "itemVecs": itemVecs, "tagVecs": tagVecs,
            "Wu": Wu, "bu": bu, "Wi": Wi, "bi": bi}


def reference(x, userVecs, itemVecs, tagVecs, Wu, bu, Wi, bi):
    if x.ndim == 1:
        x = x.reshape(1, -1)
    user_id = x[:, 0]
    item_id = x[:, 1]
    pos_id = x[:, 2]
    neg_id = x[:, 3]
    user_vec = jnp.take(userVecs, user_id, axis=0)
    item_vec = jnp.take(itemVecs, item_id, axis=0)
    tag_vec = jnp.take(tagVecs, pos_id, axis=0)
    neg_tag_vec = jnp.take(tagVecs, neg_id, axis=0)
    user_tag_vec = jax.nn.sigmoid(tag_vec @ Wu.T + bu)
    item_tag_vec = jax.nn.sigmoid(tag_vec @ Wi.T + bi)
    neg_user_tag_vec = jax.nn.sigmoid(neg_tag_vec @ Wu.T + bu)
    neg_item_tag_vec = jax.nn.sigmoid(neg_tag_vec @ Wi.T + bi)
    r = (jnp.sum(user_vec * user_tag_vec, axis=1)
         + jnp.sum(item_vec * item_tag_vec, axis=1)
         - (jnp.sum(user_vec * neg_user_tag_vec, axis=1)
            + jnp.sum(item_vec * neg_item_tag_vec, axis=1)))
    return r

if __name__ == "__main__":
    import jax
    _d = setup_inputs()
    print(jax.jit(kernel)(*tuple(_d.values())))

</pallas_src>

<mosaic_0001>
#map = affine_map<(d0, d1) -> (0, 0, 0)>
#map1 = affine_map<(d0, d1) -> (0)>
#map2 = affine_map<(d0, d1) -> (0, 0)>
module attributes {stable_mosaic.version = 14 : i64} {
  func.func @gather4(%arg0: i32, %arg1: i32, %arg2: memref<125000x8x32xf32, #tpu.memory_space<hbm>>, %arg3: memref<125000x8x32xf32, #tpu.memory_space<hbm>>, %arg4: memref<125000x8x32xf32, #tpu.memory_space<hbm>>, %arg5: memref<16384xi32, #tpu.memory_space<hbm>>, %arg6: memref<16384xi32, #tpu.memory_space<hbm>>, %arg7: memref<16384xi32, #tpu.memory_space<hbm>>, %arg8: memref<16384xi32, #tpu.memory_space<hbm>>, %arg9: memref<16384x32xf32, #tpu.memory_space<hbm>>, %arg10: memref<16384x32xf32, #tpu.memory_space<hbm>>, %arg11: memref<16384x32xf32, #tpu.memory_space<hbm>>, %arg12: memref<16384x32xf32, #tpu.memory_space<hbm>>, %arg13: memref<512xi32, #tpu.memory_space<vmem>>, %arg14: memref<512xi32, #tpu.memory_space<vmem>>, %arg15: memref<512xi32, #tpu.memory_space<vmem>>, %arg16: memref<512xi32, #tpu.memory_space<vmem>>, %arg17: memref<512x32xf32, #tpu.memory_space<vmem>>, %arg18: memref<!tpu.dma_semaphore, #tpu.memory_space<semaphore_mem>>) attributes {dimension_semantics = [#tpu.dimension_semantics<core_parallel>, #tpu.dimension_semantics<subcore_parallel>], iteration_bounds = array<i64: 2, 16>, scalar_prefetch = 0 : i64, scratch_operands = 6 : i64, tpu.core_type = #tpu.core_type<sc_vector_subcore>, window_params = [{transform_indices = #map}, {transform_indices = #map}, {transform_indices = #map}, {transform_indices = #map1}, {transform_indices = #map1}, {transform_indices = #map1}, {transform_indices = #map1}, {transform_indices = #map2}, {transform_indices = #map2}, {transform_indices = #map2}, {transform_indices = #map2}]} {
    %mul3A = arith.constant 2 : i32
    %mul3A_0 = arith.muli %arg1, %mul3A : i32
    %add3A = arith.addi %mul3A_0, %arg0 : i32
    %mul3A_1 = arith.constant 512 : i32
    %mul3A_2 = arith.muli %add3A, %mul3A_1 : i32
    "tpu.region"() ({
      %run_scoped3A = tpu.sem_alloc : memref<!tpu.dma_semaphore, #tpu.memory_space<semaphore_mem>>
      %dma_start3A = tpu.memref_slice %arg5[%mul3A_2] : memref<16384xi32, #tpu.memory_space<hbm>> -> memref<512xi32, #tpu.memory_space<hbm>>
      %dma_start3A_41 = tpu.memref_slice %arg5[%mul3A_2] : memref<16384xi32, #tpu.memory_space<hbm>> -> memref<512xi32, #tpu.memory_space<hbm>>
      tpu.enqueue_dma source(%dma_start3A_41 : memref<512xi32, #tpu.memory_space<hbm>>) target(%arg13 : memref<512xi32, #tpu.memory_space<vmem>>) target_semaphore(%run_scoped3A : memref<!tpu.dma_semaphore, #tpu.memory_space<semaphore_mem>>)
      %dma_wait3A_42 = tpu.memref_slice %arg5[%mul3A_2] : memref<16384xi32, #tpu.memory_space<hbm>> -> memref<512xi32, #tpu.memory_space<hbm>>
      %dma_wait3A_43 = tpu.memref_slice %arg5[%mul3A_2] : memref<16384xi32, #tpu.memory_space<hbm>> -> memref<512xi32, #tpu.memory_space<hbm>>
      tpu.wait_dma2 semaphore(%run_scoped3A : memref<!tpu.dma_semaphore, #tpu.memory_space<semaphore_mem>>) src(%dma_wait3A_43 : memref<512xi32, #tpu.memory_space<hbm>>) dst(%arg13 : memref<512xi32, #tpu.memory_space<vmem>>)
      tpu.yield
    }) : () -> ()
    "tpu.region"() ({
      %run_scoped3A = tpu.sem_alloc : memref<!tpu.dma_semaphore, #tpu.memory_space<semaphore_mem>>
      %dma_start3A = tpu.memref_slice %arg6[%mul3A_2] : memref<16384xi32, #tpu.memory_space<hbm>> -> memref<512xi32, #tpu.memory_space<hbm>>
      %dma_start3A_41 = tpu.memref_slice %arg6[%mul3A_2] : memref<16384xi32, #tpu.memory_space<hbm>> -> memref<512xi32, #tpu.memory_space<hbm>>
      tpu.enqueue_dma source(%dma_start3A_41 : memref<512xi32, #tpu.memory_space<hbm>>) target(%arg14 : memref<512xi32, #tpu.memory_space<vmem>>) target_semaphore(%run_scoped3A : memref<!tpu.dma_semaphore, #tpu.memory_space<semaphore_mem>>)
      %dma_wait3A_42 = tpu.memref_slice %arg6[%mul3A_2] : memref<16384xi32, #tpu.memory_space<hbm>> -> memref<512xi32, #tpu.memory_space<hbm>>
      %dma_wait3A_43 = tpu.memref_slice %arg6[%mul3A_2] : memref<16384xi32, #tpu.memory_space<hbm>> -> memref<512xi32, #tpu.memory_space<hbm>>
      tpu.wait_dma2 semaphore(%run_scoped3A : memref<!tpu.dma_semaphore, #tpu.memory_space<semaphore_mem>>) src(%dma_wait3A_43 : memref<512xi32, #tpu.memory_space<hbm>>) dst(%arg14 : memref<512xi32, #tpu.memory_space<vmem>>)
      tpu.yield
    }) : () -> ()
    "tpu.region"() ({
      %run_scoped3A = tpu.sem_alloc : memref<!tpu.dma_semaphore, #tpu.memory_space<semaphore_mem>>
      %dma_start3A = tpu.memref_slice %arg7[%mul3A_2] : memref<16384xi32, #tpu.memory_space<hbm>> -> memref<512xi32, #tpu.memory_space<hbm>>
      %dma_start3A_41 = tpu.memref_slice %arg7[%mul3A_2] : memref<16384xi32, #tpu.memory_space<hbm>> -> memref<512xi32, #tpu.memory_space<hbm>>
      tpu.enqueue_dma source(%dma_start3A_41 : memref<512xi32, #tpu.memory_space<hbm>>) target(%arg15 : memref<512xi32, #tpu.memory_space<vmem>>) target_semaphore(%run_scoped3A : memref<!tpu.dma_semaphore, #tpu.memory_space<semaphore_mem>>)
      %dma_wait3A_42 = tpu.memref_slice %arg7[%mul3A_2] : memref<16384xi32, #tpu.memory_space<hbm>> -> memref<512xi32, #tpu.memory_space<hbm>>
      %dma_wait3A_43 = tpu.memref_slice %arg7[%mul3A_2] : memref<16384xi32, #tpu.memory_space<hbm>> -> memref<512xi32, #tpu.memory_space<hbm>>
      tpu.wait_dma2 semaphore(%run_scoped3A : memref<!tpu.dma_semaphore, #tpu.memory_space<semaphore_mem>>) src(%dma_wait3A_43 : memref<512xi32, #tpu.memory_space<hbm>>) dst(%arg15 : memref<512xi32, #tpu.memory_space<vmem>>)
      tpu.yield
    }) : () -> ()
    "tpu.region"() ({
      %run_scoped3A = tpu.sem_alloc : memref<!tpu.dma_semaphore, #tpu.memory_space<semaphore_mem>>
      %dma_start3A = tpu.memref_slice %arg8[%mul3A_2] : memref<16384xi32, #tpu.memory_space<hbm>> -> memref<512xi32, #tpu.memory_space<hbm>>
      %dma_start3A_41 = tpu.memref_slice %arg8[%mul3A_2] : memref<16384xi32, #tpu.memory_space<hbm>> -> memref<512xi32, #tpu.memory_space<hbm>>
      tpu.enqueue_dma source(%dma_start3A_41 : memref<512xi32, #tpu.memory_space<hbm>>) target(%arg16 : memref<512xi32, #tpu.memory_space<vmem>>) target_semaphore(%run_scoped3A : memref<!tpu.dma_semaphore, #tpu.memory_space<semaphore_mem>>)
      %dma_wait3A_42 = tpu.memref_slice %arg8[%mul3A_2] : memref<16384xi32, #tpu.memory_space<hbm>> -> memref<512xi32, #tpu.memory_space<hbm>>
      %dma_wait3A_43 = tpu.memref_slice %arg8[%mul3A_2] : memref<16384xi32, #tpu.memory_space<hbm>> -> memref<512xi32, #tpu.memory_space<hbm>>
      tpu.wait_dma2 semaphore(%run_scoped3A : memref<!tpu.dma_semaphore, #tpu.memory_space<semaphore_mem>>) src(%dma_wait3A_43 : memref<512xi32, #tpu.memory_space<hbm>>) dst(%arg16 : memref<512xi32, #tpu.memory_space<vmem>>)
      tpu.yield
    }) : () -> ()
    %scan3A = arith.constant 0 : i32
    %scan3A_3 = arith.constant 0 : i32
    %scan3A_4 = arith.constant 32 : i32
    %scan3A_5 = arith.addi %scan3A_3, %scan3A_4 : i32
    %scan3A_6 = arith.constant 1 : i32
    scf.for %scan3A_41 = %scan3A_3 to %scan3A_5 step %scan3A_6  : i32 {
      %mul3A_42 = arith.constant 16 : i32
      %mul3A_43 = arith.muli %scan3A_41, %mul3A_42 : i32
      %get3A = arith.index_cast %mul3A_43 : i32 to index
      %get3A_44 = tpu.vector_load %arg13[%get3A] {strides = array<i32>} : memref<512xi32, #tpu.memory_space<vmem>>, vector<16xi32>,
      %shift_right_logical3A = arith.constant 3 : i32
      %shift_right_logical3A_45 = vector.broadcast %shift_right_logical3A : i32 to vector<16xi32>
      %shift_right_logical3A_46 = arith.shrui %get3A_44, %shift_right_logical3A_45 : vector<16xi32>
      %and3A = arith.constant 7 : i32
      %and3A_47 = vector.broadcast %and3A : i32 to vector<16xi32>
      %and3A_48 = arith.andi %get3A_44, %and3A_47 : vector<16xi32>
      %slice3A = vector.extract_strided_slice %shift_right_logical3A_46 {offsets = [0], sizes = [1], strides = [1]} : vector<16xi32> to vector<1xi32>
      %squeeze3A = vector.extract %slice3A[0] : i32 from vector<1xi32>
      %slice3A_49 = vector.extract_strided_slice %and3A_48 {offsets = [0], sizes = [1], strides = [1]} : vector<16xi32> to vector<1xi32>
      %squeeze3A_50 = vector.extract %slice3A_49[0] : i32 from vector<1xi32>
      %add3A_51 = arith.constant 0 : i32
      %add3A_52 = arith.addi %mul3A_43, %add3A_51 : i32
      %dma_start3A = arith.constant 0 : i32
      %dma_start3A_53 = tpu.memref_slice %arg17[%add3A_52, %dma_start3A] : memref<512x32xf32, #tpu.memory_space<vmem>> -> memref<1x32xf32, #tpu.memory_space<vmem>>
      %dma_start3A_54 = arith.constant 0 : i32
      %dma_start3A_55 = tpu.memref_slice %arg2[%squeeze3A, %squeeze3A_50, %dma_start3A_54] : memref<125000x8x32xf32, #tpu.memory_space<hbm>> -> memref<1x1x32xf32, #tpu.memory_space<hbm>>
      %dma_start3A_56 = tpu.memref_squeeze %dma_start3A_55 : memref<1x1x32xf32, #tpu.memory_space<hbm>> -> memref<1x32xf32, #tpu.memory_space<hbm>>
      %dma_start3A_57 = arith.constant 0 : i32
      %dma_start3A_58 = tpu.memref_slice %arg17[%add3A_52, %dma_start3A_57] : memref<512x32xf32, #tpu.memory_space<vmem>> -> memref<1x32xf32, #tpu.memory_space<vmem>>
      %dma_start3A_59 = arith.constant 0 : i32
      %dma_start3A_60 = tpu.memref_slice %arg2[%squeeze3A, %squeeze3A_50, %dma_start3A_59] : memref<125000x8x32xf32, #tpu.memory_space<hbm>> -> memref<1x1x32xf32, #tpu.memory_space<hbm>>
      %dma_start3A_61 = tpu.memref_squeeze %dma_start3A_60 : memref<1x1x32xf32, #tpu.memory_space<hbm>> -> memref<1x32xf32, #tpu.memory_space<hbm>>
      tpu.enqueue_dma source(%dma_start3A_61 : memref<1x32xf32, #tpu.memory_space<hbm>>) target(%dma_start3A_58 : memref<1x32xf32, #tpu.memory_space<vmem>>) target_semaphore(%arg18 : memref<!tpu.dma_semaphore, #tpu.memory_space<semaphore_mem>>)
      %slice3A_62 = vector.extract_strided_slice %shift_right_logical3A_46 {offsets = [1], sizes = [1], strides = [1]} : vector<16xi32> to vector<1xi32>
      %squeeze3A_63 = vector.extract %slice3A_62[0] : i32 from vector<1xi32>
      %slice3A_64 = vector.extract_strided_slice %and3A_48 {offsets = [1], sizes = [1], strides = [1]} : vector<16xi32> to vector<1xi32>
      %squeeze3A_65 = vector.extract %slice3A_64[0] : i32 from vector<1xi32>
      %add3A_66 = arith.constant 1 : i32
      %add3A_67 = arith.addi %mul3A_43, %add3A_66 : i32
      %dma_start3A_68 = arith.constant 0 : i32
      %dma_start3A_69 = tpu.memref_slice %arg17[%add3A_67, %dma_start3A_68] : memref<512x32xf32, #tpu.memory_space<vmem>> -> memref<1x32xf32, #tpu.memory_space<vmem>>
      %dma_start3A_70 = arith.constant 0 : i32
      %dma_start3A_71 = tpu.memref_slice %arg2[%squeeze3A_63, %squeeze3A_65, %dma_start3A_70] : memref<125000x8x32xf32, #tpu.memory_space<hbm>> -> memref<1x1x32xf32, #tpu.memory_space<hbm>>
      %dma_start3A_72 = tpu.memref_squeeze %dma_start3A_71 : memref<1x1x32xf32, #tpu.memory_space<hbm>> -> memref<1x32xf32, #tpu.memory_space<hbm>>
      %dma_start3A_73 = arith.constant 0 : i32
      %dma_start3A_74 = tpu.memref_slice %arg17[%add3A_67, %dma_start3A_73] : memref<512x32xf32, #tpu.memory_space<vmem>> -> memref<1x32xf32, #tpu.memory_space<vmem>>
      %dma_start3A_75 = arith.constant 0 : i32
      %dma_start3A_76 = tpu.memref_slice %arg2[%squeeze3A_63, %squeeze3A_65, %dma_start3A_75] : memref<125000x8x32xf32, #tpu.memory_space<hbm>> -> memref<1x1x32xf32, #tpu.memory_space<hbm>>
      %dma_start3A_77 = tpu.memref_squeeze %dma_start3A_76 : memref<1x1x32xf32, #tpu.memory_space<hbm>> -> memref<1x32xf32, #tpu.memory_space<hbm>>
      tpu.enqueue_dma source(%dma_start3A_77 : memref<1x32xf32, #tpu.memory_space<hbm>>) target(%dma_start3A_74 : memref<1x32xf32, #tpu.memory_space<vmem>>) target_semaphore(%arg18 : memref<!tpu.dma_semaphore, #tpu.memory_space<semaphore_mem>>)
      %slice3A_78 = vector.extract_strided_slice %shift_right_logical3A_46 {offsets = [2], sizes = [1], strides = [1]} : vector<16xi32> to vector<1xi32>
      %squeeze3A_79 = vector.extract %slice3A_78[0] : i32 from vector<1xi32>
      %slice3A_80 = vector.extract_strided_slice %and3A_48 {offsets = [2], sizes = [1], strides = [1]} : vector<16xi32> to vector<1xi32>
      %squeeze3A_81 = vector.extract %slice3A_80[0] : i32 from vector<1xi32>
      %add3A_82 = arith.constant 2 : i32
      %add3A_83 = arith.addi %mul3A_43, %add3A_82 : i32
      %dma_start3A_84 = arith.constant 0 : i32
      %dma_start3A_85 = tpu.memref_slice %arg17[%add3A_83, %dma_start3A_84] : memref<512x32xf32, #tpu.memory_space<vmem>> -> memref<1x32xf32, #tpu.memory_space<vmem>>
      %dma_start3A_86 = arith.constant 0 : i32
      %dma_start3A_87 = tpu.memref_slice %arg2[%squeeze3A_79, %squeeze3A_81, %dma_start3A_86] : memref<125000x8x32xf32, #tpu.memory_space<hbm>> -> memref<1x1x32xf32, #tpu.memory_space<hbm>>
      %dma_start3A_88 = tpu.memref_squeeze %dma_start3A_87 : memref<1x1x32xf32, #tpu.memory_space<hbm>> -> memref<1x32xf32, #tpu.memory_space<hbm>>
      %dma_start3A_89 = arith.constant 0 : i32
      %dma_start3A_90 = tpu.memref_slice %arg17[%add3A_83, %dma_start3A_89] : memref<512x32xf32, #tpu.memory_space<vmem>> -> memref<1x32xf32, #tpu.memory_space<vmem>>
      %dma_start3A_91 = arith.constant 0 : i32
      %dma_start3A_92 = tpu.memref_slice %arg2[%squeeze3A_79, %squeeze3A_81, %dma_start3A_91] : memref<125000x8x32xf32, #tpu.memory_space<hbm>> -> memref<1x1x32xf32, #tpu.memory_space<hbm>>
      %dma_start3A_93 = tpu.memref_squeeze %dma_start3A_92 : memref<1x1x32xf32, #tpu.memory_space<hbm>> -> memref<1x32xf32, #tpu.memory_space<hbm>>
      tpu.enqueue_dma source(%dma_start3A_93 : memref<1x32xf32, #tpu.memory_space<hbm>>) target(%dma_start3A_90 : memref<1x32xf32, #tpu.memory_space<vmem>>) target_semaphore(%arg18 : memref<!tpu.dma_semaphore, #tpu.memory_space<semaphore_mem>>)
      %slice3A_94 = vector.extract_strided_slice %shift_right_logical3A_46 {offsets = [3], sizes = [1], strides = [1]} : vector<16xi32> to vector<1xi32>
      %squeeze3A_95 = vector.extract %slice3A_94[0] : i32 from vector<1xi32>
      %slice3A_96 = vector.extract_strided_slice %and3A_48 {offsets = [3], sizes = [1], strides = [1]} : vector<16xi32> to vector<1xi32>
      %squeeze3A_97 = vector.extract %slice3A_96[0] : i32 from vector<1xi32>
      %add3A_98 = arith.constant 3 : i32
      %add3A_99 = arith.addi %mul3A_43, %add3A_98 : i32
      %dma_start3A_100 = arith.constant 0 : i32
      %dma_start3A_101 = tpu.memref_slice %arg17[%add3A_99, %dma_start3A_100] : memref<512x32xf32, #tpu.memory_space<vmem>> -> memref<1x32xf32, #tpu.memory_space<vmem>>
      %dma_start3A_102 = arith.constant 0 : i32
      %dma_start3A_103 = tpu.memref_slice %arg2[%squeeze3A_95, %squeeze3A_97, %dma_start3A_102] : memref<125000x8x32xf32, #tpu.memory_space<hbm>> -> memref<1x1x32xf32, #tpu.memory_space<hbm>>
      %dma_start3A_104 = tpu.memref_squeeze %dma_start3A_103 : memref<1x1x32xf32, #tpu.memory_space<hbm>> -> memref<1x32xf32, #tpu.memory_space<hbm>>
      %dma_start3A_105 = arith.constant 0 : i32
      %dma_start3A_106 = tpu.memref_slice %arg17[%add3A_99, %dma_start3A_105] : memref<512x32xf32, #tpu.memory_space<vmem>> -> memref<1x32xf32, #tpu.memory_space<vmem>>
      %dma_start3A_107 = arith.constant 0 : i32
      %dma_start3A_108 = tpu.memref_slice %arg2[%squeeze3A_95, %squeeze3A_97, %dma_start3A_107] : memref<125000x8x32xf32, #tpu.memory_space<hbm>> -> memref<1x1x32xf32, #tpu.memory_space<hbm>>
      %dma_start3A_109 = tpu.memref_squeeze %dma_start3A_108 : memref<1x1x32xf32, #tpu.memory_space<hbm>> -> memref<1x32xf32, #tpu.memory_space<hbm>>
      tpu.enqueue_dma source(%dma_start3A_109 : memref<1x32xf32, #tpu.memory_space<hbm>>) target(%dma_start3A_106 : memref<1x32xf32, #tpu.memory_space<vmem>>) target_semaphore(%arg18 : memref<!tpu.dma_semaphore, #tpu.memory_space<semaphore_mem>>)
      %slice3A_110 = vector.extract_strided_slice %shift_right_logical3A_46 {offsets = [4], sizes = [1], strides = [1]} : vector<16xi32> to vector<1xi32>
      %squeeze3A_111 = vector.extract %slice3A_110[0] : i32 from vector<1xi32>
      %slice3A_112 = vector.extract_strided_slice %and3A_48 {offsets = [4], sizes = [1], strides = [1]} : vector<16xi32> to vector<1xi32>
      %squeeze3A_113 = vector.extract %slice3A_112[0] : i32 from vector<1xi32>
      %add3A_114 = arith.constant 4 : i32
      %add3A_115 = arith.addi %mul3A_43, %add3A_114 : i32
      %dma_start3A_116 = arith.constant 0 : i32
      %dma_start3A_117 = tpu.memref_slice %arg17[%add3A_115, %dma_start3A_116] : memref<512x32xf32, #tpu.memory_space<vmem>> -> memref<1x32xf32, #tpu.memory_space<vmem>>
      %dma_start3A_118 = arith.constant 0 : i32
      %dma_start3A_119 = tpu.memref_slice %arg2[%squeeze3A_111, %squeeze3A_113, %dma_start3A_118] : memref<125000x8x32xf32, #tpu.memory_space<hbm>> -> memref<1x1x32xf32, #tpu.memory_space<hbm>>
      %dma_start3A_120 = tpu.memref_squeeze %dma_start3A_119 : memref<1x1x32xf32, #tpu.memory_space<hbm>> -> memref<1x32xf32, #tpu.memory_space<hbm>>
      %dma_start3A_121 = arith.constant 0 : i32
      %dma_start3A_122 = tpu.memref_slice %arg17[%add3A_115, %dma_start3A_121] : memref<512x32xf32, #tpu.memory_space<vmem>> -> memref<1x32xf32, #tpu.memory_space<vmem>>
      %dma_start3A_123 = arith.constant 0 : i32
      %dma_start3A_124 = tpu.memref_slice %arg2[%squeeze3A_111, %squeeze3A_113, %dma_start3A_123] : memref<125000x8x32xf32, #tpu.memory_space<hbm>> -> memref<1x1x32xf32, #tpu.memory_space<hbm>>
      %dma_start3A_125 = tpu.memref_squeeze %dma_start3A_124 : memref<1x1x32xf32, #tpu.memory_space<hbm>> -> memref<1x32xf32, #tpu.memory_space<hbm>>
      tpu.enqueue_dma source(%dma_start3A_125 : memref<1x32xf32, #tpu.memory_space<hbm>>) target(%dma_start3A_122 : memref<1x32xf32, #tpu.memory_space<vmem>>) target_semaphore(%arg18 : memref<!tpu.dma_semaphore, #tpu.memory_space<semaphore_mem>>)
      %slice3A_126 = vector.extract_strided_slice %shift_right_logical3A_46 {offsets = [5], sizes = [1], strides = [1]} : vector<16xi32> to vector<1xi32>
      %squeeze3A_127 = vector.extract %slice3A_126[0] : i32 from vector<1xi32>
      %slice3A_128 = vector.extract_strided_slice %and3A_48 {offsets = [5], sizes = [1], strides = [1]} : vector<16xi32> to vector<1xi32>
      %squeeze3A_129 = vector.extract %slice3A_128[0] : i32 from vector<1xi32>
      %add3A_130 = arith.constant 5 : i32
      %add3A_131 = arith.addi %mul3A_43, %add3A_130 : i32
      %dma_start3A_132 = arith.constant 0 : i32
      %dma_start3A_133 = tpu.memref_slice %arg17[%add3A_131, %dma_start3A_132] : memref<512x32xf32, #tpu.memory_space<vmem>> -> memref<1x32xf32, #tpu.memory_space<vmem>>
      %dma_start3A_134 = arith.constant 0 : i32
      %dma_start3A_135 = tpu.memref_slice %arg2[%squeeze3A_127, %squeeze3A_129, %dma_start3A_134] : memref<125000x8x32xf32, #tpu.memory_space<hbm>> -> memref<1x1x32xf32, #tpu.memory_space<hbm>>
      %dma_start3A_136 = tpu.memref_squeeze %dma_start3A_135 : memref<1x1x32xf32, #tpu.memory_space<hbm>> -> memref<1x32xf32, #tpu.memory_space<hbm>>
      %dma_start3A_137 = arith.constant 0 : i32
      %dma_start3A_138 = tpu.memref_slice %arg17[%add3A_131, %dma_start3A_137] : memref<512x32xf32, #tpu.memory_space<vmem>> -> memref<1x32xf32, #tpu.memory_space<vmem>>
      %dma_start3A_139 = arith.constant 0 : i32
      %dma_start3A_140 = tpu.memref_slice %arg2[%squeeze3A_127, %squeeze3A_129, %dma_start3A_139] : memref<125000x8x32xf32, #tpu.memory_space<hbm>> -> memref<1x1x32xf32, #tpu.memory_space<hbm>>
      %dma_start3A_141 = tpu.memref_squeeze %dma_start3A_140 : memref<1x1x32xf32, #tpu.memory_space<hbm>> -> memref<1x32xf32, #tpu.memory_space<hbm>>
      tpu.enqueue_dma source(%dma_start3A_141 : memref<1x32xf32, #tpu.memory_space<hbm>>) target(%dma_start3A_138 : memref<1x32xf32, #tpu.memory_space<vmem>>) target_semaphore(%arg18 : memref<!tpu.dma_semaphore, #tpu.memory_space<semaphore_mem>>)
      %slice3A_142 = vector.extract_strided_slice %shift_right_logical3A_46 {offsets = [6], sizes = [1], strides = [1]} : vector<16xi32> to vector<1xi32>
      %squeeze3A_143 = vector.extract %slice3A_142[0] : i32 from vector<1xi32>
      %slice3A_144 = vector.extract_strided_slice %and3A_48 {offsets = [6], sizes = [1], strides = [1]} : vector<16xi32> to vector<1xi32>
      %squeeze3A_145 = vector.extract %slice3A_144[0] : i32 from vector<1xi32>
      %add3A_146 = arith.constant 6 : i32
      %add3A_147 = arith.addi %mul3A_43, %add3A_146 : i32
      %dma_start3A_148 = arith.constant 0 : i32
      %dma_start3A_149 = tpu.memref_slice %arg17[%add3A_147, %dma_start3A_148] : memref<512x32xf32, #tpu.memory_space<vmem>> -> memref<1x32xf32, #tpu.memory_space<vmem>>
      %dma_start3A_150 = arith.constant 0 : i32
      %dma_start3A_151 = tpu.memref_slice %arg2[%squeeze3A_143, %squeeze3A_145, %dma_start3A_150] : memref<125000x8x32xf32, #tpu.memory_space<hbm>> -> memref<1x1x32xf32, #tpu.memory_space<hbm>>
      %dma_start3A_152 = tpu.memref_squeeze %dma_start3A_151 : memref<1x1x32xf32, #tpu.memory_space<hbm>> -> memref<1x32xf32, #tpu.memory_space<hbm>>
      %dma_start3A_153 = arith.constant 0 : i32
      %dma_start3A_154 = tpu.memref_slice %arg17[%add3A_147, %dma_start3A_153] : memref<512x32xf32, #tpu.memory_space<vmem>> -> memref<1x32xf32, #tpu.memory_space<vmem>>
      %dma_start3A_155 = arith.constant 0 : i32
      %dma_start3A_156 = tpu.memref_slice %arg2[%squeeze3A_143, %squeeze3A_145, %dma_start3A_155] : memref<125000x8x32xf32, #tpu.memory_space<hbm>> -> memref<1x1x32xf32, #tpu.memory_space<hbm>>
      %dma_start3A_157 = tpu.memref_squeeze %dma_start3A_156 : memref<1x1x32xf32, #tpu.memory_space<hbm>> -> memref<1x32xf32, #tpu.memory_space<hbm>>
      tpu.enqueue_dma source(%dma_start3A_157 : memref<1x32xf32, #tpu.memory_space<hbm>>) target(%dma_start3A_154 : memref<1x32xf32, #tpu.memory_space<vmem>>) target_semaphore(%arg18 : memref<!tpu.dma_semaphore, #tpu.memory_space<semaphore_mem>>)
      %slice3A_158 = vector.extract_strided_slice %shift_right_logical3A_46 {offsets = [7], sizes = [1], strides = [1]} : vector<16xi32> to vector<1xi32>
      %squeeze3A_159 = vector.extract %slice3A_158[0] : i32 from vector<1xi32>
      %slice3A_160 = vector.extract_strided_slice %and3A_48 {offsets = [7], sizes = [1], strides = [1]} : vector<16xi32> to vector<1xi32>
      %squeeze3A_161 = vector.extract %slice3A_160[0] : i32 from vector<1xi32>
      %add3A_162 = arith.constant 7 : i32
      %add3A_163 = arith.addi %mul3A_43, %add3A_162 : i32
      %dma_start3A_164 = arith.constant 0 : i32
      %dma_start3A_165 = tpu.memref_slice %arg17[%add3A_163, %dma_start3A_164] : memref<512x32xf32, #tpu.memory_space<vmem>> -> memref<1x32xf32, #tpu.memory_space<vmem>>
      %dma_start3A_166 = arith.constant 0 : i32
      %dma_start3A_167 = tpu.memref_slice %arg2[%squeeze3A_159, %squeeze3A_161, %dma_start3A_166] : memref<125000x8x32xf32, #tpu.memory_space<hbm>> -> memref<1x1x32xf32, #tpu.memory_space<hbm>>
      %dma_start3A_168 = tpu.memref_squeeze %dma_start3A_167 : memref<1x1x32xf32, #tpu.memory_space<hbm>> -> memref<1x32xf32, #tpu.memory_space<hbm>>
      %dma_start3A_169 = arith.constant 0 : i32
      %dma_start3A_170 = tpu.memref_slice %arg17[%add3A_163, %dma_start3A_169] : memref<512x32xf32, #tpu.memory_space<vmem>> -> memref<1x32xf32, #tpu.memory_space<vmem>>
      %dma_start3A_171 = arith.constant 0 : i32
      %dma_start3A_172 = tpu.memref_slice %arg2[%squeeze3A_159, %squeeze3A_161, %dma_start3A_171] : memref<125000x8x32xf32, #tpu.memory_space<hbm>> -> memref<1x1x32xf32, #tpu.memory_space<hbm>>
      %dma_start3A_173 = tpu.memref_squeeze %dma_start3A_172 : memref<1x1x32xf32, #tpu.memory_space<hbm>> -> memref<1x32xf32, #tpu.memory_space<hbm>>
      tpu.enqueue_dma source(%dma_start3A_173 : memref<1x32xf32, #tpu.memory_space<hbm>>) target(%dma_start3A_170 : memref<1x32xf32, #tpu.memory_space<vmem>>) target_semaphore(%arg18 : memref<!tpu.dma_semaphore, #tpu.memory_space<semaphore_mem>>)
      %slice3A_174 = vector.extract_strided_slice %shift_right_logical3A_46 {offsets = [8], sizes = [1], strides = [1]} : vector<16xi32> to vector<1xi32>
      %squeeze3A_175 = vector.extract %slice3A_174[0] : i32 from vector<1xi32>
      %slice3A_176 = vector.extract_strided_slice %and3A_48 {offsets = [8], sizes = [1], strides = [1]} : vector<16xi32> to vector<1xi32>
      %squeeze3A_177 = vector.extract %slice3A_176[0] : i32 from vector<1xi32>
      %add3A_178 = arith.constant 8 : i32
      %add3A_179 = arith.addi %mul3A_43, %add3A_178 : i32
      %dma_start3A_180 = arith.constant 0 : i32
      %dma_start3A_181 = tpu.memref_slice %arg17[%add3A_179, %dma_start3A_180] : memref<512x32xf32, #tpu.memory_space<vmem>> -> memref<1x32xf32, #tpu.memory_space<vmem>>
      %dma_start3A_182 = arith.constant 0 : i32
      %dma_start3A_183 = tpu.memref_slice %arg2[%squeeze3A_175, %squeeze3A_177, %dma_start3A_182] : memref<125000x8x32xf32, #tpu.memory_space<hbm>> -> memref<1x1x32xf32, #tpu.memory_space<hbm>>
      %dma_start3A_184 = tpu.memref_squeeze %dma_start3A_183 : memref<1x1x32xf32, #tpu.memory_space<hbm>> -> memref<1x32xf32, #tpu.memory_space<hbm>>
      %dma_start3A_185 = arith.constant 0 : i32
      %dma_start3A_186 = tpu.memref_slice %arg17[%add3A_179, %dma_start3A_185] : memref<512x32xf32, #tpu.memory_space<vmem>> -> memref<1x32xf32, #tpu.memory_space<vmem>>
      %dma_start3A_187 = arith.constant 0 : i32
      %dma_start3A_188 = tpu.memref_slice %arg2[%squeeze3A_175, %squeeze3A_177, %dma_start3A_187] : memref<125000x8x32xf32, #tpu.memory_space<hbm>> -> memref<1x1x32xf32, #tpu.memory_space<hbm>>
      %dma_start3A_189 = tpu.memref_squeeze %dma_start3A_188 : memref<1x1x32xf32, #tpu.memory_space<hbm>> -> memref<1x32xf32, #tpu.memory_space<hbm>>
      tpu.enqueue_dma source(%dma_start3A_189 : memref<1x32xf32, #tpu.memory_space<hbm>>) target(%dma_start3A_186 : memref<1x32xf32, #tpu.memory_space<vmem>>) target_semaphore(%arg18 : memref<!tpu.dma_semaphore, #tpu.memory_space<semaphore_mem>>)
      %slice3A_190 = vector.extract_strided_slice %shift_right_logical3A_46 {offsets = [9], sizes = [1], strides = [1]} : vector<16xi32> to vector<1xi32>
      %squeeze3A_191 = vector.extract %slice3A_190[0] : i32 from vector<1xi32>
      %slice3A_192 = vector.extract_strided_slice %and3A_48 {offsets = [9], sizes = [1], strides = [1]} : vector<16xi32> to vector<1xi32>
      %squeeze3A_193 = vector.extract %slice3A_192[0] : i32 from vector<1xi32>
      %add3A_194 = arith.constant 9 : i32
      %add3A_195 = arith.addi %mul3A_43, %add3A_194 : i32
      %dma_start3A_196 = arith.constant 0 : i32
      %dma_start3A_197 = tpu.memref_slice %arg17[%add3A_195, %dma_start3A_196] : memref<512x32xf32, #tpu.memory_space<vmem>> -> memref<1x32xf32, #tpu.memory_space<vmem>>
      %dma_start3A_198 = arith.constant 0 : i32
      %dma_start3A_199 = tpu.memref_slice %arg2[%squeeze3A_191, %squeeze3A_193, %dma_start3A_198] : memref<125000x8x32xf32, #tpu.memory_space<hbm>> -> memref<1x1x32xf32, #tpu.memory_space<hbm>>
      %dma_start3A_200 = tpu.memref_squeeze %dma_start3A_199 : memref<1x1x32xf32, #tpu.memory_space<hbm>> -> memref<1x32xf32, #tpu.memory_space<hbm>>
      %dma_start3A_201 = arith.constant 0 : i32
      %dma_start3A_202 = tpu.memref_slice %arg17[%add3A_195, %dma_start3A_201] : memref<512x32xf32, #tpu.memory_space<vmem>> -> memref<1x32xf32, #tpu.memory_space<vmem>>
      %dma_start3A_203 = arith.constant 0 : i32
      %dma_start3A_204 = tpu.memref_slice %arg2[%squeeze3A_191, %squeeze3A_193, %dma_start3A_203] : memref<125000x8x32xf32, #tpu.memory_space<hbm>> -> memref<1x1x32xf32, #tpu.memory_space<hbm>>
      %dma_start3A_205 = tpu.memref_squeeze %dma_start3A_204 : memref<1x1x32xf32, #tpu.memory_space<hbm>> -> memref<1x32xf32, #tpu.memory_space<hbm>>
      tpu.enqueue_dma source(%dma_start3A_205 : memref<1x32xf32, #tpu.memory_space<hbm>>) target(%dma_start3A_202 : memref<1x32xf32, #tpu.memory_space<vmem>>) target_semaphore(%arg18 : memref<!tpu.dma_semaphore, #tpu.memory_space<semaphore_mem>>)
      %slice3A_206 = vector.extract_strided_slice %shift_right_logical3A_46 {offsets = [10], sizes = [1], strides = [1]} : vector<16xi32> to vector<1xi32>
      %squeeze3A_207 = vector.extract %slice3A_206[0] : i32 from vector<1xi32>
      %slice3A_208 = vector.extract_strided_slice %and3A_48 {offsets = [10], sizes = [1], strides = [1]} : vector<16xi32> to vector<1xi32>
      %squeeze3A_209 = vector.extract %slice3A_208[0] : i32 from vector<1xi32>
      %add3A_210 = arith.constant 10 : i32
      %add3A_211 = arith.addi %mul3A_43, %add3A_210 : i32
      %dma_start3A_212 = arith.constant 0 : i32
      %dma_start3A_213 = tpu.memref_slice %arg17[%add3A_211, %dma_start3A_212] : memref<512x32xf32, #tpu.memory_space<vmem>> -> memref<1x32xf32, #tpu.memory_space<vmem>>
      %dma_start3A_214 = arith.constant 0 : i32
      %dma_start3A_215 = tpu.memref_slice %arg2[%squeeze3A_207, %squeeze3A_209, %dma_start3A_214] : memref<125000x8x32xf32, #tpu.memory_space<hbm>> -> memref<1x1x32xf32, #tpu.memory_space<hbm>>
      %dma_start3A_216 = tpu.memref_squeeze %dma_start3A_215 : memref<1x1x32xf32, #tpu.memory_space<hbm>> -> memref<1x32xf32, #tpu.memory_space<hbm>>
      %dma_start3A_217 = arith.constant 0 : i32
      %dma_start3A_218 = tpu.memref_slice %arg17[%add3A_211, %dma_start3A_217] : memref<512x32xf32, #tpu.memory_space<vmem>> -> memref<1x32xf32, #tpu.memory_space<vmem>>
      %dma_start3A_219 = arith.constant 0 : i32
      %dma_start3A_220 = tpu.memref_slice %arg2[%squeeze3A_207, %squeeze3A_209, %dma_start3A_219] : memref<125000x8x32xf32, #tpu.memory_space<hbm>> -> memref<1x1x32xf32, #tpu.memory_space<hbm>>
      %dma_start3A_221 = tpu.memref_squeeze %dma_start3A_220 : memref<1x1x32xf32, #tpu.memory_space<hbm>> -> memref<1x32xf32, #tpu.memory_space<hbm>>
      tpu.enqueue_dma source(%dma_start3A_221 : memref<1x32xf32, #tpu.memory_space<hbm>>) target(%dma_start3A_218 : memref<1x32xf32, #tpu.memory_space<vmem>>) target_semaphore(%arg18 : memref<!tpu.dma_semaphore, #tpu.memory_space<semaphore_mem>>)
      %slice3A_222 = vector.extract_strided_slice %shift_right_logical3A_46 {offsets = [11], sizes = [1], strides = [1]} : vector<16xi32> to vector<1xi32>
      %squeeze3A_223 = vector.extract %slice3A_222[0] : i32 from vector<1xi32>
      %slice3A_224 = vector.extract_strided_slice %and3A_48 {offsets = [11], sizes = [1], strides = [1]} : vector<16xi32> to vector<1xi32>
      %squeeze3A_225 = vector.extract %slice3A_224[0] : i32 from vector<1xi32>
      %add3A_226 = arith.constant 11 : i32
      %add3A_227 = arith.addi %mul3A_43, %add3A_226 : i32
      %dma_start3A_228 = arith.constant 0 : i32
      %dma_start3A_229 = tpu.memref_slice %arg17[%add3A_227, %dma_start3A_228] : memref<512x32xf32, #tpu.memory_space<vmem>> -> memref<1x32xf32, #tpu.memory_space<vmem>>
      %dma_start3A_230 = arith.constant 0 : i32
      %dma_start3A_231 = tpu.memref_slice %arg2[%squeeze3A_223, %squeeze3A_225, %dma_start3A_230] : memref<125000x8x32xf32, #tpu.memory_space<hbm>> -> memref<1x1x32xf32, #tpu.memory_space<hbm>>
      %dma_start3A_232 = tpu.memref_squeeze %dma_start3A_231 : memref<1x1x32xf32, #tpu.memory_space<hbm>> -> memref<1x32xf32, #tpu.memory_space<hbm>>
      %dma_start3A_233 = arith.constant 0 : i32
      %dma_start3A_234 = tpu.memref_slice %arg17[%add3A_227, %dma_start3A_233] : memref<512x32xf32, #tpu.memory_space<vmem>> -> memref<1x32xf32, #tpu.memory_space<vmem>>
      %dma_start3A_235 = arith.constant 0 : i32
      %dma_start3A_236 = tpu.memref_slice %arg2[%squeeze3A_223, %squeeze3A_225, %dma_start3A_235] : memref<125000x8x32xf32, #tpu.memory_space<hbm>> -> memref<1x1x32xf32, #tpu.memory_space<hbm>>
      %dma_start3A_237 = tpu.memref_squeeze %dma_start3A_236 : memref<1x1x32xf32, #tpu.memory_space<hbm>> -> memref<1x32xf32, #tpu.memory_space<hbm>>
      tpu.enqueue_dma source(%dma_start3A_237 : memref<1x32xf32, #tpu.memory_space<hbm>>) target(%dma_start3A_234 : memref<1x32xf32, #tpu.memory_space<vmem>>) target_semaphore(%arg18 : memref<!tpu.dma_semaphore, #tpu.memory_space<semaphore_mem>>)
      %slice3A_238 = vector.extract_strided_slice %shift_right_logical3A_46 {offsets = [12], sizes = [1], strides = [1]} : vector<16xi32> to vector<1xi32>
      %squeeze3A_239 = vector.extract %slice3A_238[0] : i32 from vector<1xi32>
      %slice3A_240 = vector.extract_strided_slice %and3A_48 {offsets = [12], sizes = [1], strides = [1]} : vector<16xi32> to vector<1xi32>
      %squeeze3A_241 = vector.extract %slice3A_240[0] : i32 from vector<1xi32>
      %add3A_242 = arith.constant 12 : i32
      %add3A_243 = arith.addi %mul3A_43, %add3A_242 : i32
      %dma_start3A_244 = arith.constant 0 : i32
      %dma_start3A_245 = tpu.memref_slice %arg17[%add3A_243, %dma_start3A_244] : memref<512x32xf32, #tpu.memory_space<vmem>> -> memref<1x32xf32, #tpu.memory_space<vmem>>
      %dma_start3A_246 = arith.constant 0 : i32
      %dma_start3A_247 = tpu.memref_slice %arg2[%squeeze3A_239, %squeeze3A_241, %dma_start3A_246] : memref<125000x8x32xf32, #tpu.memory_space<hbm>> -> memref<1x1x32xf32, #tpu.memory_space<hbm>>
      %dma_start3A_248 = tpu.memref_squeeze %dma_start3A_247 : memref<1x1x32xf32, #tpu.memory_space<hbm>> -> memref<1x32xf32, #tpu.memory_space<hbm>>
      %dma_start3A_249 = arith.constant 0 : i32
      %dma_start3A_250 = tpu.memref_slice %arg17[%add3A_243, %dma_start3A_249] : memref<512x32xf32, #tpu.memory_space<vmem>> -> memref<1x32xf32, #tpu.memory_space<vmem>>
      %dma_start3A_251 = arith.constant 0 : i32
      %dma_start3A_252 = tpu.memref_slice %arg2[%squeeze3A_239, %squeeze3A_241, %dma_start3A_251] : memref<125000x8x32xf32, #tpu.memory_space<hbm>> -> memref<1x1x32xf32, #tpu.memory_space<hbm>>
      %dma_start3A_253 = tpu.memref_squeeze %dma_start3A_252 : memref<1x1x32xf32, #tpu.memory_space<hbm>> -> memref<1x32xf32, #tpu.memory_space<hbm>>
      tpu.enqueue_dma source(%dma_start3A_253 : memref<1x32xf32, #tpu.memory_space<hbm>>) target(%dma_start3A_250 : memref<1x32xf32, #tpu.memory_space<vmem>>) target_semaphore(%arg18 : memref<!tpu.dma_semaphore, #tpu.memory_space<semaphore_mem>>)
      %slice3A_254 = vector.extract_strided_slice %shift_right_logical3A_46 {offsets = [13], sizes = [1], strides = [1]} : vector<16xi32> to vector<1xi32>
      %squeeze3A_255 = vector.extract %slice3A_254[0] : i32 from vector<1xi32>
      %slice3A_256 = vector.extract_strided_slice %and3A_48 {offsets = [13], sizes = [1], strides = [1]} : vector<16xi32> to vector<1xi32>
      %squeeze3A_257 = vector.extract %slice3A_256[0] : i32 from vector<1xi32>
      %add3A_258 = arith.constant 13 : i32
      %add3A_259 = arith.addi %mul3A_43, %add3A_258 : i32
      %dma_start3A_260 = arith.constant 0 : i32
      %dma_start3A_261 = tpu.memref_slice %arg17[%add3A_259, %dma_start3A_260] : memref<512x32xf32, #tpu.memory_space<vmem>> -> memref<1x32xf32, #tpu.memory_space<vmem>>
      %dma_start3A_262 = arith.constant 0 : i32
      %dma_start3A_263 = tpu.memref_slice %arg2[%squeeze3A_255, %squeeze3A_257, %dma_start3A_262] : memref<125000x8x32xf32, #tpu.memory_space<hbm>> -> memref<1x1x32xf32, #tpu.memory_space<hbm>>
      %dma_start3A_264 = tpu.memref_squeeze %dma_start3A_263 : memref<1x1x32xf32, #tpu.memory_space<hbm>> -> memref<1x32xf32, #tpu.memory_space<hbm>>
      %dma_start3A_265 = arith.constant 0 : i32
      %dma_start3A_266 = tpu.memref_slice %arg17[%add3A_259, %dma_start3A_265] : memref<512x32xf32, #tpu.memory_space<vmem>> -> memref<1x32xf32, #tpu.memory_space<vmem>>
      %dma_start3A_267 = arith.constant 0 : i32
      %dma_start3A_268 = tpu.memref_slice %arg2[%squeeze3A_255, %squeeze3A_257, %dma_start3A_267] : memref<125000x8x32xf32, #tpu.memory_space<hbm>> -> memref<1x1x32xf32, #tpu.memory_space<hbm>>
      %dma_start3A_269 = tpu.memref_squeeze %dma_start3A_268 : memref<1x1x32xf32, #tpu.memory_space<hbm>> -> memref<1x32xf32, #tpu.memory_space<hbm>>
      tpu.enqueue_dma source(%dma_start3A_269 : memref<1x32xf32, #tpu.memory_space<hbm>>) target(%dma_start3A_266 : memref<1x32xf32, #tpu.memory_space<vmem>>) target_semaphore(%arg18 : memref<!tpu.dma_semaphore, #tpu.memory_space<semaphore_mem>>)
      %slice3A_270 = vector.extract_strided_slice %shift_right_logical3A_46 {offsets = [14], sizes = [1], strides = [1]} : vector<16xi32> to vector<1xi32>
      %squeeze3A_271 = vector.extract %slice3A_270[0] : i32 from vector<1xi32>
      %slice3A_272 = vector.extract_strided_slice %and3A_48 {offsets = [14], sizes = [1], strides = [1]} : vector<16xi32> to vector<1xi32>
      %squeeze3A_273 = vector.extract %slice3A_272[0] : i32 from vector<1xi32>
      %add3A_274 = arith.constant 14 : i32
      %add3A_275 = arith.addi %mul3A_43, %add3A_274 : i32
      %dma_start3A_276 = arith.constant 0 : i32
      %dma_start3A_277 = tpu.memref_slice %arg17[%add3A_275, %dma_start3A_276] : memref<512x32xf32, #tpu.memory_space<vmem>> -> memref<1x32xf32, #tpu.memory_space<vmem>>
      %dma_start3A_278 = arith.constant 0 : i32
      %dma_start3A_279 = tpu.memref_slice %arg2[%squeeze3A_271, %squeeze3A_273, %dma_start3A_278] : memref<125000x8x32xf32, #tpu.memory_space<hbm>> -> memref<1x1x32xf32, #tpu.memory_space<hbm>>
      %dma_start3A_280 = tpu.memref_squeeze %dma_start3A_279 : memref<1x1x32xf32, #tpu.memory_space<hbm>> -> memref<1x32xf32, #tpu.memory_space<hbm>>
      %dma_start3A_281 = arith.constant 0 : i32
      %dma_start3A_282 = tpu.memref_slice %arg17[%add3A_275, %dma_start3A_281] : memref<512x32xf32, #tpu.memory_space<vmem>> -> memref<1x32xf32, #tpu.memory_space<vmem>>
      %dma_start3A_283 = arith.constant 0 : i32
      %dma_start3A_284 = tpu.memref_slice %arg2[%squeeze3A_271, %squeeze3A_273, %dma_start3A_283] : memref<125000x8x32xf32, #tpu.memory_space<hbm>> -> memref<1x1x32xf32, #tpu.memory_space<hbm>>
      %dma_start3A_285 = tpu.memref_squeeze %dma_start3A_284 : memref<1x1x32xf32, #tpu.memory_space<hbm>> -> memref<1x32xf32, #tpu.memory_space<hbm>>
      tpu.enqueue_dma source(%dma_start3A_285 : memref<1x32xf32, #tpu.memory_space<hbm>>) target(%dma_start3A_282 : memref<1x32xf32, #tpu.memory_space<vmem>>) target_semaphore(%arg18 : memref<!tpu.dma_semaphore, #tpu.memory_space<semaphore_mem>>)
      %slice3A_286 = vector.extract_strided_slice %shift_right_logical3A_46 {offsets = [15], sizes = [1], strides = [1]} : vector<16xi32> to vector<1xi32>
      %squeeze3A_287 = vector.extract %slice3A_286[0] : i32 from vector<1xi32>
      %slice3A_288 = vector.extract_strided_slice %and3A_48 {offsets = [15], sizes = [1], strides = [1]} : vector<16xi32> to vector<1xi32>
      %squeeze3A_289 = vector.extract %slice3A_288[0] : i32 from vector<1xi32>
      %add3A_290 = arith.constant 15 : i32
      %add3A_291 = arith.addi %mul3A_43, %add3A_290 : i32
      %dma_start3A_292 = arith.constant 0 : i32
      %dma_start3A_293 = tpu.memref_slice %arg17[%add3A_291, %dma_start3A_292] : memref<512x32xf32, #tpu.memory_space<vmem>> -> memref<1x32xf32, #tpu.memory_space<vmem>>
      %dma_start3A_294 = arith.constant 0 : i32
      %dma_start3A_295 = tpu.memref_slice %arg2[%squeeze3A_287, %squeeze3A_289, %dma_start3A_294] : memref<125000x8x32xf32, #tpu.memory_space<hbm>> -> memref<1x1x32xf32, #tpu.memory_space<hbm>>
      %dma_start3A_296 = tpu.memref_squeeze %dma_start3A_295 : memref<1x1x32xf32, #tpu.memory_space<hbm>> -> memref<1x32xf32, #tpu.memory_space<hbm>>
      %dma_start3A_297 = arith.constant 0 : i32
      %dma_start3A_298 = tpu.memref_slice %arg17[%add3A_291, %dma_start3A_297] : memref<512x32xf32, #tpu.memory_space<vmem>> -> memref<1x32xf32, #tpu.memory_space<vmem>>
      %dma_start3A_299 = arith.constant 0 : i32
      %dma_start3A_300 = tpu.memref_slice %arg2[%squeeze3A_287, %squeeze3A_289, %dma_start3A_299] : memref<125000x8x32xf32, #tpu.memory_space<hbm>> -> memref<1x1x32xf32, #tpu.memory_space<hbm>>
      %dma_start3A_301 = tpu.memref_squeeze %dma_start3A_300 : memref<1x1x32xf32, #tpu.memory_space<hbm>> -> memref<1x32xf32, #tpu.memory_space<hbm>>
      tpu.enqueue_dma source(%dma_start3A_301 : memref<1x32xf32, #tpu.memory_space<hbm>>) target(%dma_start3A_298 : memref<1x32xf32, #tpu.memory_space<vmem>>) target_semaphore(%arg18 : memref<!tpu.dma_semaphore, #tpu.memory_space<semaphore_mem>>)
    }
    %scan3A_7 = arith.constant 32 : i32
    %dma_wait3A = arith.constant 0 : i32
    %dma_wait3A_8 = tpu.memref_slice %arg9[%mul3A_2, %dma_wait3A] : memref<16384x32xf32, #tpu.memory_space<hbm>> -> memref<512x32xf32, #tpu.memory_space<hbm>>
    %dma_wait3A_9 = arith.constant 0 : i32
    %dma_wait3A_10 = tpu.memref_slice %arg9[%mul3A_2, %dma_wait3A_9] : memref<16384x32xf32, #tpu.memory_space<hbm>> -> memref<512x32xf32, #tpu.memory_space<hbm>>
    tpu.wait_dma2 semaphore(%arg18 : memref<!tpu.dma_semaphore, #tpu.memory_space<semaphore_mem>>) src(%dma_wait3A_10 : memref<512x32xf32, #tpu.memory_space<hbm>>) dst(%arg17 : memref<512x32xf32, #tpu.memory_space<vmem>>)
    "tpu.region"() ({
      %run_scoped3A = tpu.sem_alloc : memref<!tpu.dma_semaphore, #tpu.memory_space<semaphore_mem>>
      %dma_start3A = arith.constant 0 : i32
      %dma_start3A_41 = tpu.memref_slice %arg9[%mul3A_2, %dma_start3A] : memref<16384x32xf32, #tpu.memory_space<hbm>> -> memref<512x32xf32, #tpu.memory_space<hbm>>
      %dma_start3A_42 = arith.constant 0 : i32
      %dma_start3A_43 = tpu.memref_slice %arg9[%mul3A_2, %dma_start3A_42] : memref<16384x32xf32, #tpu.memory_space<hbm>> -> memref<512x32xf32, #tpu.memory_space<hbm>>
      tpu.enqueue_dma source(%arg17 : memref<512x32xf32, #tpu.memory_space<vmem>>) target(%dma_start3A_43 : memref<512x32xf32, #tpu.memory_space<hbm>>) target_semaphore(%run_scoped3A : memref<!tpu.dma_semaphore, #tpu.memory_space<semaphore_mem>>)
      %dma_wait3A_44 = arith.constant 0 : i32
      %dma_wait3A_45 = tpu.memref_slice %arg9[%mul3A_2, %dma_wait3A_44] : memref<16384x32xf32, #tpu.memory_space<hbm>> -> memref<512x32xf32, #tpu.memory_space<hbm>>
      %dma_wait3A_46 = arith.constant 0 : i32
      %dma_wait3A_47 = tpu.memref_slice %arg9[%mul3A_2, %dma_wait3A_46] : memref<16384x32xf32, #tpu.memory_space<hbm>> -> memref<512x32xf32, #tpu.memory_space<hbm>>
      tpu.wait_dma2 semaphore(%run_scoped3A : memref<!tpu.dma_semaphore, #tpu.memory_space<semaphore_mem>>) src(%arg17 : memref<512x32xf32, #tpu.memory_space<vmem>>) dst(%dma_wait3A_47 : memref<512x32xf32, #tpu.memory_space<hbm>>)
      tpu.yield
    }) : () -> ()
    %scan3A_11 = arith.constant 0 : i32
    %scan3A_12 = arith.constant 0 : i32
    %scan3A_13 = arith.constant 32 : i32
    %scan3A_14 = arith.addi %scan3A_12, %scan3A_13 : i32
    %scan3A_15 = arith.constant 1 : i32
    scf.for %scan3A_41 = %scan3A_12 to %scan3A_14 step %scan3A_15  : i32 {
      %mul3A_42 = arith.constant 16 : i32
      %mul3A_43 = arith.muli %scan3A_41, %mul3A_42 : i32
      %get3A = arith.index_cast %mul3A_43 : i32 to index
      %get3A_44 = tpu.vector_load %arg14[%get3A] {strides = array<i32>} : memref<512xi32, #tpu.memory_space<vmem>>, vector<16xi32>,
      %shift_right_logical3A = arith.constant 3 : i32
      %shift_right_logical3A_45 = vector.broadcast %shift_right_logical3A : i32 to vector<16xi32>
      %shift_right_logical3A_46 = arith.shrui %get3A_44, %shift_right_logical3A_45 : vector<16xi32>
      %and3A = arith.constant 7 : i32
      %and3A_47 = vector.broadcast %and3A : i32 to vector<16xi32>
      %and3A_48 = arith.andi %get3A_44, %and3A_47 : vector<16xi32>
      %slice3A = vector.extract_strided_slice %shift_right_logical3A_46 {offsets = [0], sizes = [1], strides = [1]} : vector<16xi32> to vector<1xi32>
      %squeeze3A = vector.extract %slice3A[0] : i32 from vector<1xi32>
      %slice3A_49 = vector.extract_strided_slice %and3A_48 {offsets = [0], sizes = [1], strides = [1]} : vector<16xi32> to vector<1xi32>
      %squeeze3A_50 = vector.extract %slice3A_49[0] : i32 from vector<1xi32>
      %add3A_51 = arith.constant 0 : i32
      %add3A_52 = arith.addi %mul3A_43, %add3A_51 : i32
      %dma_start3A = arith.constant 0 : i32
      %dma_start3A_53 = tpu.memref_slice %arg17[%add3A_52, %dma_start3A] : memref<512x32xf32, #tpu.memory_space<vmem>> -> memref<1x32xf32, #tpu.memory_space<vmem>>
      %dma_start3A_54 = arith.constant 0 : i32
      %dma_start3A_55 = tpu.memref_slice %arg3[%squeeze3A, %squeeze3A_50, %dma_start3A_54] : memref<125000x8x32xf32, #tpu.memory_space<hbm>> -> memref<1x1x32xf32, #tpu.memory_space<hbm>>
      %dma_start3A_56 = tpu.memref_squeeze %dma_start3A_55 : memref<1x1x32xf32, #tpu.memory_space<hbm>> -> memref<1x32xf32, #tpu.memory_space<hbm>>
      %dma_start3A_57 = arith.constant 0 : i32
      %dma_start3A_58 = tpu.memref_slice %arg17[%add3A_52, %dma_start3A_57] : memref<512x32xf32, #tpu.memory_space<vmem>> -> memref<1x32xf32, #tpu.memory_space<vmem>>
      %dma_start3A_59 = arith.constant 0 : i32
      %dma_start3A_60 = tpu.memref_slice %arg3[%squeeze3A, %squeeze3A_50, %dma_start3A_59] : memref<125000x8x32xf32, #tpu.memory_space<hbm>> -> memref<1x1x32xf32, #tpu.memory_space<hbm>>
      %dma_start3A_61 = tpu.memref_squeeze %dma_start3A_60 : memref<1x1x32xf32, #tpu.memory_space<hbm>> -> memref<1x32xf32, #tpu.memory_space<hbm>>
      tpu.enqueue_dma source(%dma_start3A_61 : memref<1x32xf32, #tpu.memory_space<hbm>>) target(%dma_start3A_58 : memref<1x32xf32, #tpu.memory_space<vmem>>) target_semaphore(%arg18 : memref<!tpu.dma_semaphore, #tpu.memory_space<semaphore_mem>>)
      %slice3A_62 = vector.extract_strided_slice %shift_right_logical3A_46 {offsets = [1], sizes = [1], strides = [1]} : vector<16xi32> to vector<1xi32>
      %squeeze3A_63 = vector.extract %slice3A_62[0] : i32 from vector<1xi32>
      %slice3A_64 = vector.extract_strided_slice %and3A_48 {offsets = [1], sizes = [1], strides = [1]} : vector<16xi32> to vector<1xi32>
      %squeeze3A_65 = vector.extract %slice3A_64[0] : i32 from vector<1xi32>
      %add3A_66 = arith.constant 1 : i32
      %add3A_67 = arith.addi %mul3A_43, %add3A_66 : i32
      %dma_start3A_68 = arith.constant 0 : i32
      %dma_start3A_69 = tpu.memref_slice %arg17[%add3A_67, %dma_start3A_68] : memref<512x32xf32, #tpu.memory_space<vmem>> -> memref<1x32xf32, #tpu.memory_space<vmem>>
      %dma_start3A_70 = arith.constant 0 : i32
      %dma_start3A_71 = tpu.memref_slice %arg3[%squeeze3A_63, %squeeze3A_65, %dma_start3A_70] : memref<125000x8x32xf32, #tpu.memory_space<hbm>> -> memref<1x1x32xf32, #tpu.memory_space<hbm>>
      %dma_start3A_72 = tpu.memref_squeeze %dma_start3A_71 : memref<1x1x32xf32, #tpu.memory_space<hbm>> -> memref<1x32xf32, #tpu.memory_space<hbm>>
      %dma_start3A_73 = arith.constant 0 : i32
      %dma_start3A_74 = tpu.memref_slice %arg17[%add3A_67, %dma_start3A_73] : memref<512x32xf32, #tpu.memory_space<vmem>> -> memref<1x32xf32, #tpu.memory_space<vmem>>
      %dma_start3A_75 = arith.constant 0 : i32
      %dma_start3A_76 = tpu.memref_slice %arg3[%squeeze3A_63, %squeeze3A_65, %dma_start3A_75] : memref<125000x8x32xf32, #tpu.memory_space<hbm>> -> memref<1x1x32xf32, #tpu.memory_space<hbm>>
      %dma_start3A_77 = tpu.memref_squeeze %dma_start3A_76 : memref<1x1x32xf32, #tpu.memory_space<hbm>> -> memref<1x32xf32, #tpu.memory_space<hbm>>
      tpu.enqueue_dma source(%dma_start3A_77 : memref<1x32xf32, #tpu.memory_space<hbm>>) target(%dma_start3A_74 : memref<1x32xf32, #tpu.memory_space<vmem>>) target_semaphore(%arg18 : memref<!tpu.dma_semaphore, #tpu.memory_space<semaphore_mem>>)
      %slice3A_78 = vector.extract_strided_slice %shift_right_logical3A_46 {offsets = [2], sizes = [1], strides = [1]} : vector<16xi32> to vector<1xi32>
      %squeeze3A_79 = vector.extract %slice3A_78[0] : i32 from vector<1xi32>
      %slice3A_80 = vector.extract_strided_slice %and3A_48 {offsets = [2], sizes = [1], strides = [1]} : vector<16xi32> to vector<1xi32>
      %squeeze3A_81 = vector.extract %slice3A_80[0] : i32 from vector<1xi32>
      %add3A_82 = arith.constant 2 : i32
      %add3A_83 = arith.addi %mul3A_43, %add3A_82 : i32
      %dma_start3A_84 = arith.constant 0 : i32
      %dma_start3A_85 = tpu.memref_slice %arg17[%add3A_83, %dma_start3A_84] : memref<512x32xf32, #tpu.memory_space<vmem>> -> memref<1x32xf32, #tpu.memory_space<vmem>>
      %dma_start3A_86 = arith.constant 0 : i32
      %dma_start3A_87 = tpu.memref_slice %arg3[%squeeze3A_79, %squeeze3A_81, %dma_start3A_86] : memref<125000x8x32xf32, #tpu.memory_space<hbm>> -> memref<1x1x32xf32, #tpu.memory_space<hbm>>
      %dma_start3A_88 = tpu.memref_squeeze %dma_start3A_87 : memref<1x1x32xf32, #tpu.memory_space<hbm>> -> memref<1x32xf32, #tpu.memory_space<hbm>>
      %dma_start3A_89 = arith.constant 0 : i32
      %dma_start3A_90 = tpu.memref_slice %arg17[%add3A_83, %dma_start3A_89] : memref<512x32xf32, #tpu.memory_space<vmem>> -> memref<1x32xf32, #tpu.memory_space<vmem>>
      %dma_start3A_91 = arith.constant 0 : i32
      %dma_start3A_92 = tpu.memref_slice %arg3[%squeeze3A_79, %squeeze3A_81, %dma_start3A_91] : memref<125000x8x32xf32, #tpu.memory_space<hbm>> -> memref<1x1x32xf32, #tpu.memory_space<hbm>>
      %dma_start3A_93 = tpu.memref_squeeze %dma_start3A_92 : memref<1x1x32xf32, #tpu.memory_space<hbm>> -> memref<1x32xf32, #tpu.memory_space<hbm>>
      tpu.enqueue_dma source(%dma_start3A_93 : memref<1x32xf32, #tpu.memory_space<hbm>>) target(%dma_start3A_90 : memref<1x32xf32, #tpu.memory_space<vmem>>) target_semaphore(%arg18 : memref<!tpu.dma_semaphore, #tpu.memory_space<semaphore_mem>>)
      %slice3A_94 = vector.extract_strided_slice %shift_right_logical3A_46 {offsets = [3], sizes = [1], strides = [1]} : vector<16xi32> to vector<1xi32>
      %squeeze3A_95 = vector.extract %slice3A_94[0] : i32 from vector<1xi32>
      %slice3A_96 = vector.extract_strided_slice %and3A_48 {offsets = [3], sizes = [1], strides = [1]} : vector<16xi32> to vector<1xi32>
      %squeeze3A_97 = vector.extract %slice3A_96[0] : i32 from vector<1xi32>
      %add3A_98 = arith.constant 3 : i32
      %add3A_99 = arith.addi %mul3A_43, %add3A_98 : i32
      %dma_start3A_100 = arith.constant 0 : i32
      %dma_start3A_101 = tpu.memref_slice %arg17[%add3A_99, %dma_start3A_100] : memref<512x32xf32, #tpu.memory_space<vmem>> -> memref<1x32xf32, #tpu.memory_space<vmem>>
      %dma_start3A_102 = arith.constant 0 : i32
      %dma_start3A_103 = tpu.memref_slice %arg3[%squeeze3A_95, %squeeze3A_97, %dma_start3A_102] : memref<125000x8x32xf32, #tpu.memory_space<hbm>> -> memref<1x1x32xf32, #tpu.memory_space<hbm>>
      %dma_start3A_104 = tpu.memref_squeeze %dma_start3A_103 : memref<1x1x32xf32, #tpu.memory_space<hbm>> -> memref<1x32xf32, #tpu.memory_space<hbm>>
      %dma_start3A_105 = arith.constant 0 : i32
      %dma_start3A_106 = tpu.memref_slice %arg17[%add3A_99, %dma_start3A_105] : memref<512x32xf32, #tpu.memory_space<vmem>> -> memref<1x32xf32, #tpu.memory_space<vmem>>
      %dma_start3A_107 = arith.constant 0 : i32
      %dma_start3A_108 = tpu.memref_slice %arg3[%squeeze3A_95, %squeeze3A_97, %dma_start3A_107] : memref<125000x8x32xf32, #tpu.memory_space<hbm>> -> memref<1x1x32xf32, #tpu.memory_space<hbm>>
      %dma_start3A_109 = tpu.memref_squeeze %dma_start3A_108 : memref<1x1x32xf32, #tpu.memory_space<hbm>> -> memref<1x32xf32, #tpu.memory_space<hbm>>
      tpu.enqueue_dma source(%dma_start3A_109 : memref<1x32xf32, #tpu.memory_space<hbm>>) target(%dma_start3A_106 : memref<1x32xf32, #tpu.memory_space<vmem>>) target_semaphore(%arg18 : memref<!tpu.dma_semaphore, #tpu.memory_space<semaphore_mem>>)
      %slice3A_110 = vector.extract_strided_slice %shift_right_logical3A_46 {offsets = [4], sizes = [1], strides = [1]} : vector<16xi32> to vector<1xi32>
      %squeeze3A_111 = vector.extract %slice3A_110[0] : i32 from vector<1xi32>
      %slice3A_112 = vector.extract_strided_slice %and3A_48 {offsets = [4], sizes = [1], strides = [1]} : vector<16xi32> to vector<1xi32>
      %squeeze3A_113 = vector.extract %slice3A_112[0] : i32 from vector<1xi32>
      %add3A_114 = arith.constant 4 : i32
      %add3A_115 = arith.addi %mul3A_43, %add3A_114 : i32
      %dma_start3A_116 = arith.constant 0 : i32
      %dma_start3A_117 = tpu.memref_slice %arg17[%add3A_115, %dma_start3A_116] : memref<512x32xf32, #tpu.memory_space<vmem>> -> memref<1x32xf32, #tpu.memory_space<vmem>>
      %dma_start3A_118 = arith.constant 0 : i32
      %dma_start3A_119 = tpu.memref_slice %arg3[%squeeze3A_111, %squeeze3A_113, %dma_start3A_118] : memref<125000x8x32xf32, #tpu.memory_space<hbm>> -> memref<1x1x32xf32, #tpu.memory_space<hbm>>
      %dma_start3A_120 = tpu.memref_squeeze %dma_start3A_119 : memref<1x1x32xf32, #tpu.memory_space<hbm>> -> memref<1x32xf32, #tpu.memory_space<hbm>>
      %dma_start3A_121 = arith.constant 0 : i32
      %dma_start3A_122 = tpu.memref_slice %arg17[%add3A_115, %dma_start3A_121] : memref<512x32xf32, #tpu.memory_space<vmem>> -> memref<1x32xf32, #tpu.memory_space<vmem>>
      %dma_start3A_123 = arith.constant 0 : i32
      %dma_start3A_124 = tpu.memref_slice %arg3[%squeeze3A_111, %squeeze3A_113, %dma_start3A_123] : memref<125000x8x32xf32, #tpu.memory_space<hbm>> -> memref<1x1x32xf32, #tpu.memory_space<hbm>>
      %dma_start3A_125 = tpu.memref_squeeze %dma_start3A_124 : memref<1x1x32xf32, #tpu.memory_space<hbm>> -> memref<1x32xf32, #tpu.memory_space<hbm>>
      tpu.enqueue_dma source(%dma_start3A_125 : memref<1x32xf32, #tpu.memory_space<hbm>>) target(%dma_start3A_122 : memref<1x32xf32, #tpu.memory_space<vmem>>) target_semaphore(%arg18 : memref<!tpu.dma_semaphore, #tpu.memory_space<semaphore_mem>>)
      %slice3A_126 = vector.extract_strided_slice %shift_right_logical3A_46 {offsets = [5], sizes = [1], strides = [1]} : vector<16xi32> to vector<1xi32>
      %squeeze3A_127 = vector.extract %slice3A_126[0] : i32 from vector<1xi32>
      %slice3A_128 = vector.extract_strided_slice %and3A_48 {offsets = [5], sizes = [1], strides = [1]} : vector<16xi32> to vector<1xi32>
      %squeeze3A_129 = vector.extract %slice3A_128[0] : i32 from vector<1xi32>
      %add3A_130 = arith.constant 5 : i32
      %add3A_131 = arith.addi %mul3A_43, %add3A_130 : i32
      %dma_start3A_132 = arith.constant 0 : i32
      %dma_start3A_133 = tpu.memref_slice %arg17[%add3A_131, %dma_start3A_132] : memref<512x32xf32, #tpu.memory_space<vmem>> -> memref<1x32xf32, #tpu.memory_space<vmem>>
      %dma_start3A_134 = arith.constant 0 : i32
      %dma_start3A_135 = tpu.memref_slice %arg3[%squeeze3A_127, %squeeze3A_129, %dma_start3A_134] : memref<125000x8x32xf32, #tpu.memory_space<hbm>> -> memref<1x1x32xf32, #tpu.memory_space<hbm>>
      %dma_start3A_136 = tpu.memref_squeeze %dma_start3A_135 : memref<1x1x32xf32, #tpu.memory_space<hbm>> -> memref<1x32xf32, #tpu.memory_space<hbm>>
      %dma_start3A_137 = arith.constant 0 : i32
      %dma_start3A_138 = tpu.memref_slice %arg17[%add3A_131, %dma_start3A_137] : memref<512x32xf32, #tpu.memory_space<vmem>> -> memref<1x32xf32, #tpu.memory_space<vmem>>
      %dma_start3A_139 = arith.constant 0 : i32
      %dma_start3A_140 = tpu.memref_slice %arg3[%squeeze3A_127, %squeeze3A_129, %dma_start3A_139] : memref<125000x8x32xf32, #tpu.memory_space<hbm>> -> memref<1x1x32xf32, #tpu.memory_space<hbm>>
      %dma_start3A_141 = tpu.memref_squeeze %dma_start3A_140 : memref<1x1x32xf32, #tpu.memory_space<hbm>> -> memref<1x32xf32, #tpu.memory_space<hbm>>
      tpu.enqueue_dma source(%dma_start3A_141 : memref<1x32xf32, #tpu.memory_space<hbm>>) target(%dma_start3A_138 : memref<1x32xf32, #tpu.memory_space<vmem>>) target_semaphore(%arg18 : memref<!tpu.dma_semaphore, #tpu.memory_space<semaphore_mem>>)
      %slice3A_142 = vector.extract_strided_slice %shift_right_logical3A_46 {offsets = [6], sizes = [1], strides = [1]} : vector<16xi32> to vector<1xi32>
      %squeeze3A_143 = vector.extract %slice3A_142[0] : i32 from vector<1xi32>
      %slice3A_144 = vector.extract_strided_slice %and3A_48 {offsets = [6], sizes = [1], strides = [1]} : vector<16xi32> to vector<1xi32>
      %squeeze3A_145 = vector.extract %slice3A_144[0] : i32 from vector<1xi32>
      %add3A_146 = arith.constant 6 : i32
      %add3A_147 = arith.addi %mul3A_43, %add3A_146 : i32
      %dma_start3A_148 = arith.constant 0 : i32
      %dma_start3A_149 = tpu.memref_slice %arg17[%add3A_147, %dma_start3A_148] : memref<512x32xf32, #tpu.memory_space<vmem>> -> memref<1x32xf32, #tpu.memory_space<vmem>>
      %dma_start3A_150 = arith.constant 0 : i32
      %dma_start3A_151 = tpu.memref_slice %arg3[%squeeze3A_143, %squeeze3A_145, %dma_start3A_150] : memref<125000x8x32xf32, #tpu.memory_space<hbm>> -> memref<1x1x32xf32, #tpu.memory_space<hbm>>
      %dma_start3A_152 = tpu.memref_squeeze %dma_start3A_151 : memref<1x1x32xf32, #tpu.memory_space<hbm>> -> memref<1x32xf32, #tpu.memory_space<hbm>>
      %dma_start3A_153 = arith.constant 0 : i32
      %dma_start3A_154 = tpu.memref_slice %arg17[%add3A_147, %dma_start3A_153] : memref<512x32xf32, #tpu.memory_space<vmem>> -> memref<1x32xf32, #tpu.memory_space<vmem>>
      %dma_start3A_155 = arith.constant 0 : i32
      %dma_start3A_156 = tpu.memref_slice %arg3[%squeeze3A_143, %squeeze3A_145, %dma_start3A_155] : memref<125000x8x32xf32, #tpu.memory_space<hbm>> -> memref<1x1x32xf32, #tpu.memory_space<hbm>>
      %dma_start3A_157 = tpu.memref_squeeze %dma_start3A_156 : memref<1x1x32xf32, #tpu.memory_space<hbm>> -> memref<1x32xf32, #tpu.memory_space<hbm>>
      tpu.enqueue_dma source(%dma_start3A_157 : memref<1x32xf32, #tpu.memory_space<hbm>>) target(%dma_start3A_154 : memref<1x32xf32, #tpu.memory_space<vmem>>) target_semaphore(%arg18 : memref<!tpu.dma_semaphore, #tpu.memory_space<semaphore_mem>>)
      %slice3A_158 = vector.extract_strided_slice %shift_right_logical3A_46 {offsets = [7], sizes = [1], strides = [1]} : vector<16xi32> to vector<1xi32>
      %squeeze3A_159 = vector.extract %slice3A_158[0] : i32 from vector<1xi32>
      %slice3A_160 = vector.extract_strided_slice %and3A_48 {offsets = [7], sizes = [1], strides = [1]} : vector<16xi32> to vector<1xi32>
      %squeeze3A_161 = vector.extract %slice3A_160[0] : i32 from vector<1xi32>
      %add3A_162 = arith.constant 7 : i32
      %add3A_163 = arith.addi %mul3A_43, %add3A_162 : i32
      %dma_start3A_164 = arith.constant 0 : i32
      %dma_start3A_165 = tpu.memref_slice %arg17[%add3A_163, %dma_start3A_164] : memref<512x32xf32, #tpu.memory_space<vmem>> -> memref<1x32xf32, #tpu.memory_space<vmem>>
      %dma_start3A_166 = arith.constant 0 : i32
      %dma_start3A_167 = tpu.memref_slice %arg3[%squeeze3A_159, %squeeze3A_161, %dma_start3A_166] : memref<125000x8x32xf32, #tpu.memory_space<hbm>> -> memref<1x1x32xf32, #tpu.memory_space<hbm>>
      %dma_start3A_168 = tpu.memref_squeeze %dma_start3A_167 : memref<1x1x32xf32, #tpu.memory_space<hbm>> -> memref<1x32xf32, #tpu.memory_space<hbm>>
      %dma_start3A_169 = arith.constant 0 : i32
      %dma_start3A_170 = tpu.memref_slice %arg17[%add3A_163, %dma_start3A_169] : memref<512x32xf32, #tpu.memory_space<vmem>> -> memref<1x32xf32, #tpu.memory_space<vmem>>
      %dma_start3A_171 = arith.constant 0 : i32
      %dma_start3A_172 = tpu.memref_slice %arg3[%squeeze3A_159, %squeeze3A_161, %dma_start3A_171] : memref<125000x8x32xf32, #tpu.memory_space<hbm>> -> memref<1x1x32xf32, #tpu.memory_space<hbm>>
      %dma_start3A_173 = tpu.memref_squeeze %dma_start3A_172 : memref<1x1x32xf32, #tpu.memory_space<hbm>> -> memref<1x32xf32, #tpu.memory_space<hbm>>
      tpu.enqueue_dma source(%dma_start3A_173 : memref<1x32xf32, #tpu.memory_space<hbm>>) target(%dma_start3A_170 : memref<1x32xf32, #tpu.memory_space<vmem>>) target_semaphore(%arg18 : memref<!tpu.dma_semaphore, #tpu.memory_space<semaphore_mem>>)
      %slice3A_174 = vector.extract_strided_slice %shift_right_logical3A_46 {offsets = [8], sizes = [1], strides = [1]} : vector<16xi32> to vector<1xi32>
      %squeeze3A_175 = vector.extract %slice3A_174[0] : i32 from vector<1xi32>
      %slice3A_176 = vector.extract_strided_slice %and3A_48 {offsets = [8], sizes = [1], strides = [1]} : vector<16xi32> to vector<1xi32>
      %squeeze3A_177 = vector.extract %slice3A_176[0] : i32 from vector<1xi32>
      %add3A_178 = arith.constant 8 : i32
      %add3A_179 = arith.addi %mul3A_43, %add3A_178 : i32
      %dma_start3A_180 = arith.constant 0 : i32
      %dma_start3A_181 = tpu.memref_slice %arg17[%add3A_179, %dma_start3A_180] : memref<512x32xf32, #tpu.memory_space<vmem>> -> memref<1x32xf32, #tpu.memory_space<vmem>>
      %dma_start3A_182 = arith.constant 0 : i32
      %dma_start3A_183 = tpu.memref_slice %arg3[%squeeze3A_175, %squeeze3A_177, %dma_start3A_182] : memref<125000x8x32xf32, #tpu.memory_space<hbm>> -> memref<1x1x32xf32, #tpu.memory_space<hbm>>
      %dma_start3A_184 = tpu.memref_squeeze %dma_start3A_183 : memref<1x1x32xf32, #tpu.memory_space<hbm>> -> memref<1x32xf32, #tpu.memory_space<hbm>>
      %dma_start3A_185 = arith.constant 0 : i32
      %dma_start3A_186 = tpu.memref_slice %arg17[%add3A_179, %dma_start3A_185] : memref<512x32xf32, #tpu.memory_space<vmem>> -> memref<1x32xf32, #tpu.memory_space<vmem>>
      %dma_start3A_187 = arith.constant 0 : i32
      %dma_start3A_188 = tpu.memref_slice %arg3[%squeeze3A_175, %squeeze3A_177, %dma_start3A_187] : memref<125000x8x32xf32, #tpu.memory_space<hbm>> -> memref<1x1x32xf32, #tpu.memory_space<hbm>>
      %dma_start3A_189 = tpu.memref_squeeze %dma_start3A_188 : memref<1x1x32xf32, #tpu.memory_space<hbm>> -> memref<1x32xf32, #tpu.memory_space<hbm>>
      tpu.enqueue_dma source(%dma_start3A_189 : memref<1x32xf32, #tpu.memory_space<hbm>>) target(%dma_start3A_186 : memref<1x32xf32, #tpu.memory_space<vmem>>) target_semaphore(%arg18 : memref<!tpu.dma_semaphore, #tpu.memory_space<semaphore_mem>>)
      %slice3A_190 = vector.extract_strided_slice %shift_right_logical3A_46 {offsets = [9], sizes = [1], strides = [1]} : vector<16xi32> to vector<1xi32>
      %squeeze3A_191 = vector.extract %slice3A_190[0] : i32 from vector<1xi32>
      %slice3A_192 = vector.extract_strided_slice %and3A_48 {offsets = [9], sizes = [1], strides = [1]} : vector<16xi32> to vector<1xi32>
      %squeeze3A_193 = vector.extract %slice3A_192[0] : i32 from vector<1xi32>
      %add3A_194 = arith.constant 9 : i32
      %add3A_195 = arith.addi %mul3A_43, %add3A_194 : i32
      %dma_start3A_196 = arith.constant 0 : i32
      %dma_start3A_197 = tpu.memref_slice %arg17[%add3A_195, %dma_start3A_196] : memref<512x32xf32, #tpu.memory_space<vmem>> -> memref<1x32xf32, #tpu.memory_space<vmem>>
      %dma_start3A_198 = arith.constant 0 : i32
      %dma_start3A_199 = tpu.memref_slice %arg3[%squeeze3A_191, %squeeze3A_193, %dma_start3A_198] : memref<125000x8x32xf32, #tpu.memory_space<hbm>> -> memref<1x1x32xf32, #tpu.memory_space<hbm>>
      %dma_start3A_200 = tpu.memref_squeeze %dma_start3A_199 : memref<1x1x32xf32, #tpu.memory_space<hbm>> -> memref<1x32xf32, #tpu.memory_space<hbm>>
      %dma_start3A_201 = arith.constant 0 : i32
      %dma_start3A_202 = tpu.memref_slice %arg17[%add3A_195, %dma_start3A_201] : memref<512x32xf32, #tpu.memory_space<vmem>> -> memref<1x32xf32, #tpu.memory_space<vmem>>
      %dma_start3A_203 = arith.constant 0 : i32
      %dma_start3A_204 = tpu.memref_slice %arg3[%squeeze3A_191, %squeeze3A_193, %dma_start3A_203] : memref<125000x8x32xf32, #tpu.memory_space<hbm>> -> memref<1x1x32xf32, #tpu.memory_space<hbm>>
      %dma_start3A_205 = tpu.memref_squeeze %dma_start3A_204 : memref<1x1x32xf32, #tpu.memory_space<hbm>> -> memref<1x32xf32, #tpu.memory_space<hbm>>
      tpu.enqueue_dma source(%dma_start3A_205 : memref<1x32xf32, #tpu.memory_space<hbm>>) target(%dma_start3A_202 : memref<1x32xf32, #tpu.memory_space<vmem>>) target_semaphore(%arg18 : memref<!tpu.dma_semaphore, #tpu.memory_space<semaphore_mem>>)
      %slice3A_206 = vector.extract_strided_slice %shift_right_logical3A_46 {offsets = [10], sizes = [1], strides = [1]} : vector<16xi32> to vector<1xi32>
      %squeeze3A_207 = vector.extract %slice3A_206[0] : i32 from vector<1xi32>
      %slice3A_208 = vector.extract_strided_slice %and3A_48 {offsets = [10], sizes = [1], strides = [1]} : vector<16xi32> to vector<1xi32>
      %squeeze3A_209 = vector.extract %slice3A_208[0] : i32 from vector<1xi32>
      %add3A_210 = arith.constant 10 : i32
      %add3A_211 = arith.addi %mul3A_43, %add3A_210 : i32
      %dma_start3A_212 = arith.constant 0 : i32
      %dma_start3A_213 = tpu.memref_slice %arg17[%add3A_211, %dma_start3A_212] : memref<512x32xf32, #tpu.memory_space<vmem>> -> memref<1x32xf32, #tpu.memory_space<vmem>>
      %dma_start3A_214 = arith.constant 0 : i32
      %dma_start3A_215 = tpu.memref_slice %arg3[%squeeze3A_207, %squeeze3A_209, %dma_start3A_214] : memref<125000x8x32xf32, #tpu.memory_space<hbm>> -> memref<1x1x32xf32, #tpu.memory_space<hbm>>
      %dma_start3A_216 = tpu.memref_squeeze %dma_start3A_215 : memref<1x1x32xf32, #tpu.memory_space<hbm>> -> memref<1x32xf32, #tpu.memory_space<hbm>>
      %dma_start3A_217 = arith.constant 0 : i32
      %dma_start3A_218 = tpu.memref_slice %arg17[%add3A_211, %dma_start3A_217] : memref<512x32xf32, #tpu.memory_space<vmem>> -> memref<1x32xf32, #tpu.memory_space<vmem>>
      %dma_start3A_219 = arith.constant 0 : i32
      %dma_start3A_220 = tpu.memref_slice %arg3[%squeeze3A_207, %squeeze3A_209, %dma_start3A_219] : memref<125000x8x32xf32, #tpu.memory_space<hbm>> -> memref<1x1x32xf32, #tpu.memory_space<hbm>>
      %dma_start3A_221 = tpu.memref_squeeze %dma_start3A_220 : memref<1x1x32xf32, #tpu.memory_space<hbm>> -> memref<1x32xf32, #tpu.memory_space<hbm>>
      tpu.enqueue_dma source(%dma_start3A_221 : memref<1x32xf32, #tpu.memory_space<hbm>>) target(%dma_start3A_218 : memref<1x32xf32, #tpu.memory_space<vmem>>) target_semaphore(%arg18 : memref<!tpu.dma_semaphore, #tpu.memory_space<semaphore_mem>>)
      %slice3A_222 = vector.extract_strided_slice %shift_right_logical3A_46 {offsets = [11], sizes = [1], strides = [1]} : vector<16xi32> to vector<1xi32>
      %squeeze3A_223 = vector.extract %slice3A_222[0] : i32 from vector<1xi32>
      %slice3A_224 = vector.extract_strided_slice %and3A_48 {offsets = [11], sizes = [1], strides = [1]} : vector<16xi32> to vector<1xi32>
      %squeeze3A_225 = vector.extract %slice3A_224[0] : i32 from vector<1xi32>
      %add3A_226 = arith.constant 11 : i32
      %add3A_227 = arith.addi %mul3A_43, %add3A_226 : i32
      %dma_start3A_228 = arith.constant 0 : i32
      %dma_start3A_229 = tpu.memref_slice %arg17[%add3A_227, %dma_start3A_228] : memref<512x32xf32, #tpu.memory_space<vmem>> -> memref<1x32xf32, #tpu.memory_space<vmem>>
      %dma_start3A_230 = arith.constant 0 : i32
      %dma_start3A_231 = tpu.memref_slice %arg3[%squeeze3A_223, %squeeze3A_225, %dma_start3A_230] : memref<125000x8x32xf32, #tpu.memory_space<hbm>> -> memref<1x1x32xf32, #tpu.memory_space<hbm>>
      %dma_start3A_232 = tpu.memref_squeeze %dma_start3A_231 : memref<1x1x32xf32, #tpu.memory_space<hbm>> -> memref<1x32xf32, #tpu.memory_space<hbm>>
      %dma_start3A_233 = arith.constant 0 : i32
      %dma_start3A_234 = tpu.memref_slice %arg17[%add3A_227, %dma_start3A_233] : memref<512x32xf32, #tpu.memory_space<vmem>> -> memref<1x32xf32, #tpu.memory_space<vmem>>
      %dma_start3A_235 = arith.constant 0 : i32
      %dma_start3A_236 = tpu.memref_slice %arg3[%squeeze3A_223, %squeeze3A_225, %dma_start3A_235] : memref<125000x8x32xf32, #tpu.memory_space<hbm>> -> memref<1x1x32xf32, #tpu.memory_space<hbm>>
      %dma_start3A_237 = tpu.memref_squeeze %dma_start3A_236 : memref<1x1x32xf32, #tpu.memory_space<hbm>> -> memref<1x32xf32, #tpu.memory_space<hbm>>
      tpu.enqueue_dma source(%dma_start3A_237 : memref<1x32xf32, #tpu.memory_space<hbm>>) target(%dma_start3A_234 : memref<1x32xf32, #tpu.memory_space<vmem>>) target_semaphore(%arg18 : memref<!tpu.dma_semaphore, #tpu.memory_space<semaphore_mem>>)
      %slice3A_238 = vector.extract_strided_slice %shift_right_logical3A_46 {offsets = [12], sizes = [1], strides = [1]} : vector<16xi32> to vector<1xi32>
      %squeeze3A_239 = vector.extract %slice3A_238[0] : i32 from vector<1xi32>
      %slice3A_240 = vector.extract_strided_slice %and3A_48 {offsets = [12], sizes = [1], strides = [1]} : vector<16xi32> to vector<1xi32>
      %squeeze3A_241 = vector.extract %slice3A_240[0] : i32 from vector<1xi32>
      %add3A_242 = arith.constant 12 : i32
      %add3A_243 = arith.addi %mul3A_43, %add3A_242 : i32
      %dma_start3A_244 = arith.constant 0 : i32
      %dma_start3A_245 = tpu.memref_slice %arg17[%add3A_243, %dma_start3A_244] : memref<512x32xf32, #tpu.memory_space<vmem>> -> memref<1x32xf32, #tpu.memory_space<vmem>>
      %dma_start3A_246 = arith.constant 0 : i32
      %dma_start3A_247 = tpu.memref_slice %arg3[%squeeze3A_239, %squeeze3A_241, %dma_start3A_246] : memref<125000x8x32xf32, #tpu.memory_space<hbm>> -> memref<1x1x32xf32, #tpu.memory_space<hbm>>
      %dma_start3A_248 = tpu.memref_squeeze %dma_start3A_247 : memref<1x1x32xf32, #tpu.memory_space<hbm>> -> memref<1x32xf32, #tpu.memory_space<hbm>>
      %dma_start3A_249 = arith.constant 0 : i32
      %dma_start3A_250 = tpu.memref_slice %arg17[%add3A_243, %dma_start3A_249] : memref<512x32xf32, #tpu.memory_space<vmem>> -> memref<1x32xf32, #tpu.memory_space<vmem>>
      %dma_start3A_251 = arith.constant 0 : i32
      %dma_start3A_252 = tpu.memref_slice %arg3[%squeeze3A_239, %squeeze3A_241, %dma_start3A_251] : memref<125000x8x32xf32, #tpu.memory_space<hbm>> -> memref<1x1x32xf32, #tpu.memory_space<hbm>>
      %dma_start3A_253 = tpu.memref_squeeze %dma_start3A_252 : memref<1x1x32xf32, #tpu.memory_space<hbm>> -> memref<1x32xf32, #tpu.memory_space<hbm>>
      tpu.enqueue_dma source(%dma_start3A_253 : memref<1x32xf32, #tpu.memory_space<hbm>>) target(%dma_start3A_250 : memref<1x32xf32, #tpu.memory_space<vmem>>) target_semaphore(%arg18 : memref<!tpu.dma_semaphore, #tpu.memory_space<semaphore_mem>>)
      %slice3A_254 = vector.extract_strided_slice %shift_right_logical3A_46 {offsets = [13], sizes = [1], strides = [1]} : vector<16xi32> to vector<1xi32>
      %squeeze3A_255 = vector.extract %slice3A_254[0] : i32 from vector<1xi32>
      %slice3A_256 = vector.extract_strided_slice %and3A_48 {offsets = [13], sizes = [1], strides = [1]} : vector<16xi32> to vector<1xi32>
      %squeeze3A_257 = vector.extract %slice3A_256[0] : i32 from vector<1xi32>
      %add3A_258 = arith.constant 13 : i32
      %add3A_259 = arith.addi %mul3A_43, %add3A_258 : i32
      %dma_start3A_260 = arith.constant 0 : i32
      %dma_start3A_261 = tpu.memref_slice %arg17[%add3A_259, %dma_start3A_260] : memref<512x32xf32, #tpu.memory_space<vmem>> -> memref<1x32xf32, #tpu.memory_space<vmem>>
      %dma_start3A_262 = arith.constant 0 : i32
      %dma_start3A_263 = tpu.memref_slice %arg3[%squeeze3A_255, %squeeze3A_257, %dma_start3A_262] : memref<125000x8x32xf32, #tpu.memory_space<hbm>> -> memref<1x1x32xf32, #tpu.memory_space<hbm>>
      %dma_start3A_264 = tpu.memref_squeeze %dma_start3A_263 : memref<1x1x32xf32, #tpu.memory_space<hbm>> -> memref<1x32xf32, #tpu.memory_space<hbm>>
      %dma_start3A_265 = arith.constant 0 : i32
      %dma_start3A_266 = tpu.memref_slice %arg17[%add3A_259, %dma_start3A_265] : memref<512x32xf32, #tpu.memory_space<vmem>> -> memref<1x32xf32, #tpu.memory_space<vmem>>
      %dma_start3A_267 = arith.constant 0 : i32
      %dma_start3A_268 = tpu.memref_slice %arg3[%squeeze3A_255, %squeeze3A_257, %dma_start3A_267] : memref<125000x8x32xf32, #tpu.memory_space<hbm>> -> memref<1x1x32xf32, #tpu.memory_space<hbm>>
      %dma_start3A_269 = tpu.memref_squeeze %dma_start3A_268 : memref<1x1x32xf32, #tpu.memory_space<hbm>> -> memref<1x32xf32, #tpu.memory_space<hbm>>
      tpu.enqueue_dma source(%dma_start3A_269 : memref<1x32xf32, #tpu.memory_space<hbm>>) target(%dma_start3A_266 : memref<1x32xf32, #tpu.memory_space<vmem>>) target_semaphore(%arg18 : memref<!tpu.dma_semaphore, #tpu.memory_space<semaphore_mem>>)
      %slice3A_270 = vector.extract_strided_slice %shift_right_logical3A_46 {offsets = [14], sizes = [1], strides = [1]} : vector<16xi32> to vector<1xi32>
      %squeeze3A_271 = vector.extract %slice3A_270[0] : i32 from vector<1xi32>
      %slice3A_272 = vector.extract_strided_slice %and3A_48 {offsets = [14], sizes = [1], strides = [1]} : vector<16xi32> to vector<1xi32>
      %squeeze3A_273 = vector.extract %slice3A_272[0] : i32 from vector<1xi32>
      %add3A_274 = arith.constant 14 : i32
      %add3A_275 = arith.addi %mul3A_43, %add3A_274 : i32
      %dma_start3A_276 = arith.constant 0 : i32
      %dma_start3A_277 = tpu.memref_slice %arg17[%add3A_275, %dma_start3A_276] : memref<512x32xf32, #tpu.memory_space<vmem>> -> memref<1x32xf32, #tpu.memory_space<vmem>>
      %dma_start3A_278 = arith.constant 0 : i32
      %dma_start3A_279 = tpu.memref_slice %arg3[%squeeze3A_271, %squeeze3A_273, %dma_start3A_278] : memref<125000x8x32xf32, #tpu.memory_space<hbm>> -> memref<1x1x32xf32, #tpu.memory_space<hbm>>
      %dma_start3A_280 = tpu.memref_squeeze %dma_start3A_279 : memref<1x1x32xf32, #tpu.memory_space<hbm>> -> memref<1x32xf32, #tpu.memory_space<hbm>>
      %dma_start3A_281 = arith.constant 0 : i32
      %dma_start3A_282 = tpu.memref_slice %arg17[%add3A_275, %dma_start3A_281] : memref<512x32xf32, #tpu.memory_space<vmem>> -> memref<1x32xf32, #tpu.memory_space<vmem>>
      %dma_start3A_283 = arith.constant 0 : i32
      %dma_start3A_284 = tpu.memref_slice %arg3[%squeeze3A_271, %squeeze3A_273, %dma_start3A_283] : memref<125000x8x32xf32, #tpu.memory_space<hbm>> -> memref<1x1x32xf32, #tpu.memory_space<hbm>>
      %dma_start3A_285 = tpu.memref_squeeze %dma_start3A_284 : memref<1x1x32xf32, #tpu.memory_space<hbm>> -> memref<1x32xf32, #tpu.memory_space<hbm>>
      tpu.enqueue_dma source(%dma_start3A_285 : memref<1x32xf32, #tpu.memory_space<hbm>>) target(%dma_start3A_282 : memref<1x32xf32, #tpu.memory_space<vmem>>) target_semaphore(%arg18 : memref<!tpu.dma_semaphore, #tpu.memory_space<semaphore_mem>>)
      %slice3A_286 = vector.extract_strided_slice %shift_right_logical3A_46 {offsets = [15], sizes = [1], strides = [1]} : vector<16xi32> to vector<1xi32>
      %squeeze3A_287 = vector.extract %slice3A_286[0] : i32 from vector<1xi32>
      %slice3A_288 = vector.extract_strided_slice %and3A_48 {offsets = [15], sizes = [1], strides = [1]} : vector<16xi32> to vector<1xi32>
      %squeeze3A_289 = vector.extract %slice3A_288[0] : i32 from vector<1xi32>
      %add3A_290 = arith.constant 15 : i32
      %add3A_291 = arith.addi %mul3A_43, %add3A_290 : i32
      %dma_start3A_292 = arith.constant 0 : i32
      %dma_start3A_293 = tpu.memref_slice %arg17[%add3A_291, %dma_start3A_292] : memref<512x32xf32, #tpu.memory_space<vmem>> -> memref<1x32xf32, #tpu.memory_space<vmem>>
      %dma_start3A_294 = arith.constant 0 : i32
      %dma_start3A_295 = tpu.memref_slice %arg3[%squeeze3A_287, %squeeze3A_289, %dma_start3A_294] : memref<125000x8x32xf32, #tpu.memory_space<hbm>> -> memref<1x1x32xf32, #tpu.memory_space<hbm>>
      %dma_start3A_296 = tpu.memref_squeeze %dma_start3A_295 : memref<1x1x32xf32, #tpu.memory_space<hbm>> -> memref<1x32xf32, #tpu.memory_space<hbm>>
      %dma_start3A_297 = arith.constant 0 : i32
      %dma_start3A_298 = tpu.memref_slice %arg17[%add3A_291, %dma_start3A_297] : memref<512x32xf32, #tpu.memory_space<vmem>> -> memref<1x32xf32, #tpu.memory_space<vmem>>
      %dma_start3A_299 = arith.constant 0 : i32
      %dma_start3A_300 = tpu.memref_slice %arg3[%squeeze3A_287, %squeeze3A_289, %dma_start3A_299] : memref<125000x8x32xf32, #tpu.memory_space<hbm>> -> memref<1x1x32xf32, #tpu.memory_space<hbm>>
      %dma_start3A_301 = tpu.memref_squeeze %dma_start3A_300 : memref<1x1x32xf32, #tpu.memory_space<hbm>> -> memref<1x32xf32, #tpu.memory_space<hbm>>
      tpu.enqueue_dma source(%dma_start3A_301 : memref<1x32xf32, #tpu.memory_space<hbm>>) target(%dma_start3A_298 : memref<1x32xf32, #tpu.memory_space<vmem>>) target_semaphore(%arg18 : memref<!tpu.dma_semaphore, #tpu.memory_space<semaphore_mem>>)
    }
    %scan3A_16 = arith.constant 32 : i32
    %dma_wait3A_17 = arith.constant 0 : i32
    %dma_wait3A_18 = tpu.memref_slice %arg10[%mul3A_2, %dma_wait3A_17] : memref<16384x32xf32, #tpu.memory_space<hbm>> -> memref<512x32xf32, #tpu.memory_space<hbm>>
    %dma_wait3A_19 = arith.constant 0 : i32
    %dma_wait3A_20 = tpu.memref_slice %arg10[%mul3A_2, %dma_wait3A_19] : memref<16384x32xf32, #tpu.memory_space<hbm>> -> memref<512x32xf32, #tpu.memory_space<hbm>>
    tpu.wait_dma2 semaphore(%arg18 : memref<!tpu.dma_semaphore, #tpu.memory_space<semaphore_mem>>) src(%dma_wait3A_20 : memref<512x32xf32, #tpu.memory_space<hbm>>) dst(%arg17 : memref<512x32xf32, #tpu.memory_space<vmem>>)
    "tpu.region"() ({
      %run_scoped3A = tpu.sem_alloc : memref<!tpu.dma_semaphore, #tpu.memory_space<semaphore_mem>>
      %dma_start3A = arith.constant 0 : i32
      %dma_start3A_41 = tpu.memref_slice %arg10[%mul3A_2, %dma_start3A] : memref<16384x32xf32, #tpu.memory_space<hbm>> -> memref<512x32xf32, #tpu.memory_space<hbm>>
      %dma_start3A_42 = arith.constant 0 : i32
      %dma_start3A_43 = tpu.memref_slice %arg10[%mul3A_2, %dma_start3A_42] : memref<16384x32xf32, #tpu.memory_space<hbm>> -> memref<512x32xf32, #tpu.memory_space<hbm>>
      tpu.enqueue_dma source(%arg17 : memref<512x32xf32, #tpu.memory_space<vmem>>) target(%dma_start3A_43 : memref<512x32xf32, #tpu.memory_space<hbm>>) target_semaphore(%run_scoped3A : memref<!tpu.dma_semaphore, #tpu.memory_space<semaphore_mem>>)
      %dma_wait3A_44 = arith.constant 0 : i32
      %dma_wait3A_45 = tpu.memref_slice %arg10[%mul3A_2, %dma_wait3A_44] : memref<16384x32xf32, #tpu.memory_space<hbm>> -> memref<512x32xf32, #tpu.memory_space<hbm>>
      %dma_wait3A_46 = arith.constant 0 : i32
      %dma_wait3A_47 = tpu.memref_slice %arg10[%mul3A_2, %dma_wait3A_46] : memref<16384x32xf32, #tpu.memory_space<hbm>> -> memref<512x32xf32, #tpu.memory_space<hbm>>
      tpu.wait_dma2 semaphore(%run_scoped3A : memref<!tpu.dma_semaphore, #tpu.memory_space<semaphore_mem>>) src(%arg17 : memref<512x32xf32, #tpu.memory_space<vmem>>) dst(%dma_wait3A_47 : memref<512x32xf32, #tpu.memory_space<hbm>>)
      tpu.yield
    }) : () -> ()
    %scan3A_21 = arith.constant 0 : i32
    %scan3A_22 = arith.constant 0 : i32
    %scan3A_23 = arith.constant 32 : i32
    %scan3A_24 = arith.addi %scan3A_22, %scan3A_23 : i32
    %scan3A_25 = arith.constant 1 : i32
    scf.for %scan3A_41 = %scan3A_22 to %scan3A_24 step %scan3A_25  : i32 {
      %mul3A_42 = arith.constant 16 : i32
      %mul3A_43 = arith.muli %scan3A_41, %mul3A_42 : i32
      %get3A = arith.index_cast %mul3A_43 : i32 to index
      %get3A_44 = tpu.vector_load %arg15[%get3A] {strides = array<i32>} : memref<512xi32, #tpu.memory_space<vmem>>, vector<16xi32>,
      %shift_right_logical3A = arith.constant 3 : i32
      %shift_right_logical3A_45 = vector.broadcast %shift_right_logical3A : i32 to vector<16xi32>
      %shift_right_logical3A_46 = arith.shrui %get3A_44, %shift_right_logical3A_45 : vector<16xi32>
      %and3A = arith.constant 7 : i32
      %and3A_47 = vector.broadcast %and3A : i32 to vector<16xi32>
      %and3A_48 = arith.andi %get3A_44, %and3A_47 : vector<16xi32>
      %slice3A = vector.extract_strided_slice %shift_right_logical3A_46 {offsets = [0], sizes = [1], strides = [1]} : vector<16xi32> to vector<1xi32>
      %squeeze3A = vector.extract %slice3A[0] : i32 from vector<1xi32>
      %slice3A_49 = vector.extract_strided_slice %and3A_48 {offsets = [0], sizes = [1], strides = [1]} : vector<16xi32> to vector<1xi32>
      %squeeze3A_50 = vector.extract %slice3A_49[0] : i32 from vector<1xi32>
      %add3A_51 = arith.constant 0 : i32
      %add3A_52 = arith.addi %mul3A_43, %add3A_51 : i32
      %dma_start3A = arith.constant 0 : i32
      %dma_start3A_53 = tpu.memref_slice %arg17[%add3A_52, %dma_start3A] : memref<512x32xf32, #tpu.memory_space<vmem>> -> memref<1x32xf32, #tpu.memory_space<vmem>>
      %dma_start3A_54 = arith.constant 0 : i32
      %dma_start3A_55 = tpu.memref_slice %arg4[%squeeze3A, %squeeze3A_50, %dma_start3A_54] : memref<125000x8x32xf32, #tpu.memory_space<hbm>> -> memref<1x1x32xf32, #tpu.memory_space<hbm>>
      %dma_start3A_56 = tpu.memref_squeeze %dma_start3A_55 : memref<1x1x32xf32, #tpu.memory_space<hbm>> -> memref<1x32xf32, #tpu.memory_space<hbm>>
      %dma_start3A_57 = arith.constant 0 : i32
      %dma_start3A_58 = tpu.memref_slice %arg17[%add3A_52, %dma_start3A_57] : memref<512x32xf32, #tpu.memory_space<vmem>> -> memref<1x32xf32, #tpu.memory_space<vmem>>
      %dma_start3A_59 = arith.constant 0 : i32
      %dma_start3A_60 = tpu.memref_slice %arg4[%squeeze3A, %squeeze3A_50, %dma_start3A_59] : memref<125000x8x32xf32, #tpu.memory_space<hbm>> -> memref<1x1x32xf32, #tpu.memory_space<hbm>>
      %dma_start3A_61 = tpu.memref_squeeze %dma_start3A_60 : memref<1x1x32xf32, #tpu.memory_space<hbm>> -> memref<1x32xf32, #tpu.memory_space<hbm>>
      tpu.enqueue_dma source(%dma_start3A_61 : memref<1x32xf32, #tpu.memory_space<hbm>>) target(%dma_start3A_58 : memref<1x32xf32, #tpu.memory_space<vmem>>) target_semaphore(%arg18 : memref<!tpu.dma_semaphore, #tpu.memory_space<semaphore_mem>>)
      %slice3A_62 = vector.extract_strided_slice %shift_right_logical3A_46 {offsets = [1], sizes = [1], strides = [1]} : vector<16xi32> to vector<1xi32>
      %squeeze3A_63 = vector.extract %slice3A_62[0] : i32 from vector<1xi32>
      %slice3A_64 = vector.extract_strided_slice %and3A_48 {offsets = [1], sizes = [1], strides = [1]} : vector<16xi32> to vector<1xi32>
      %squeeze3A_65 = vector.extract %slice3A_64[0] : i32 from vector<1xi32>
      %add3A_66 = arith.constant 1 : i32
      %add3A_67 = arith.addi %mul3A_43, %add3A_66 : i32
      %dma_start3A_68 = arith.constant 0 : i32
      %dma_start3A_69 = tpu.memref_slice %arg17[%add3A_67, %dma_start3A_68] : memref<512x32xf32, #tpu.memory_space<vmem>> -> memref<1x32xf32, #tpu.memory_space<vmem>>
      %dma_start3A_70 = arith.constant 0 : i32
      %dma_start3A_71 = tpu.memref_slice %arg4[%squeeze3A_63, %squeeze3A_65, %dma_start3A_70] : memref<125000x8x32xf32, #tpu.memory_space<hbm>> -> memref<1x1x32xf32, #tpu.memory_space<hbm>>
      %dma_start3A_72 = tpu.memref_squeeze %dma_start3A_71 : memref<1x1x32xf32, #tpu.memory_space<hbm>> -> memref<1x32xf32, #tpu.memory_space<hbm>>
      %dma_start3A_73 = arith.constant 0 : i32
      %dma_start3A_74 = tpu.memref_slice %arg17[%add3A_67, %dma_start3A_73] : memref<512x32xf32, #tpu.memory_space<vmem>> -> memref<1x32xf32, #tpu.memory_space<vmem>>
      %dma_start3A_75 = arith.constant 0 : i32
      %dma_start3A_76 = tpu.memref_slice %arg4[%squeeze3A_63, %squeeze3A_65, %dma_start3A_75] : memref<125000x8x32xf32, #tpu.memory_space<hbm>> -> memref<1x1x32xf32, #tpu.memory_space<hbm>>
      %dma_start3A_77 = tpu.memref_squeeze %dma_start3A_76 : memref<1x1x32xf32, #tpu.memory_space<hbm>> -> memref<1x32xf32, #tpu.memory_space<hbm>>
      tpu.enqueue_dma source(%dma_start3A_77 : memref<1x32xf32, #tpu.memory_space<hbm>>) target(%dma_start3A_74 : memref<1x32xf32, #tpu.memory_space<vmem>>) target_semaphore(%arg18 : memref<!tpu.dma_semaphore, #tpu.memory_space<semaphore_mem>>)
      %slice3A_78 = vector.extract_strided_slice %shift_right_logical3A_46 {offsets = [2], sizes = [1], strides = [1]} : vector<16xi32> to vector<1xi32>
      %squeeze3A_79 = vector.extract %slice3A_78[0] : i32 from vector<1xi32>
      %slice3A_80 = vector.extract_strided_slice %and3A_48 {offsets = [2], sizes = [1], strides = [1]} : vector<16xi32> to vector<1xi32>
      %squeeze3A_81 = vector.extract %slice3A_80[0] : i32 from vector<1xi32>
      %add3A_82 = arith.constant 2 : i32
      %add3A_83 = arith.addi %mul3A_43, %add3A_82 : i32
      %dma_start3A_84 = arith.constant 0 : i32
      %dma_start3A_85 = tpu.memref_slice %arg17[%add3A_83, %dma_start3A_84] : memref<512x32xf32, #tpu.memory_space<vmem>> -> memref<1x32xf32, #tpu.memory_space<vmem>>
      %dma_start3A_86 = arith.constant 0 : i32
      %dma_start3A_87 = tpu.memref_slice %arg4[%squeeze3A_79, %squeeze3A_81, %dma_start3A_86] : memref<125000x8x32xf32, #tpu.memory_space<hbm>> -> memref<1x1x32xf32, #tpu.memory_space<hbm>>
      %dma_start3A_88 = tpu.memref_squeeze %dma_start3A_87 : memref<1x1x32xf32, #tpu.memory_space<hbm>> -> memref<1x32xf32, #tpu.memory_space<hbm>>
      %dma_start3A_89 = arith.constant 0 : i32
      %dma_start3A_90 = tpu.memref_slice %arg17[%add3A_83, %dma_start3A_89] : memref<512x32xf32, #tpu.memory_space<vmem>> -> memref<1x32xf32, #tpu.memory_space<vmem>>
      %dma_start3A_91 = arith.constant 0 : i32
      %dma_start3A_92 = tpu.memref_slice %arg4[%squeeze3A_79, %squeeze3A_81, %dma_start3A_91] : memref<125000x8x32xf32, #tpu.memory_space<hbm>> -> memref<1x1x32xf32, #tpu.memory_space<hbm>>
      %dma_start3A_93 = tpu.memref_squeeze %dma_start3A_92 : memref<1x1x32xf32, #tpu.memory_space<hbm>> -> memref<1x32xf32, #tpu.memory_space<hbm>>
      tpu.enqueue_dma source(%dma_start3A_93 : memref<1x32xf32, #tpu.memory_space<hbm>>) target(%dma_start3A_90 : memref<1x32xf32, #tpu.memory_space<vmem>>) target_semaphore(%arg18 : memref<!tpu.dma_semaphore, #tpu.memory_space<semaphore_mem>>)
      %slice3A_94 = vector.extract_strided_slice %shift_right_logical3A_46 {offsets = [3], sizes = [1], strides = [1]} : vector<16xi32> to vector<1xi32>
      %squeeze3A_95 = vector.extract %slice3A_94[0] : i32 from vector<1xi32>
      %slice3A_96 = vector.extract_strided_slice %and3A_48 {offsets = [3], sizes = [1], strides = [1]} : vector<16xi32> to vector<1xi32>
      %squeeze3A_97 = vector.extract %slice3A_96[0] : i32 from vector<1xi32>
      %add3A_98 = arith.constant 3 : i32
      %add3A_99 = arith.addi %mul3A_43, %add3A_98 : i32
      %dma_start3A_100 = arith.constant 0 : i32
      %dma_start3A_101 = tpu.memref_slice %arg17[%add3A_99, %dma_start3A_100] : memref<512x32xf32, #tpu.memory_space<vmem>> -> memref<1x32xf32, #tpu.memory_space<vmem>>
      %dma_start3A_102 = arith.constant 0 : i32
      %dma_start3A_103 = tpu.memref_slice %arg4[%squeeze3A_95, %squeeze3A_97, %dma_start3A_102] : memref<125000x8x32xf32, #tpu.memory_space<hbm>> -> memref<1x1x32xf32, #tpu.memory_space<hbm>>
      %dma_start3A_104 = tpu.memref_squeeze %dma_start3A_103 : memref<1x1x32xf32, #tpu.memory_space<hbm>> -> memref<1x32xf32, #tpu.memory_space<hbm>>
      %dma_start3A_105 = arith.constant 0 : i32
      %dma_start3A_106 = tpu.memref_slice %arg17[%add3A_99, %dma_start3A_105] : memref<512x32xf32, #tpu.memory_space<vmem>> -> memref<1x32xf32, #tpu.memory_space<vmem>>
      %dma_start3A_107 = arith.constant 0 : i32
      %dma_start3A_108 = tpu.memref_slice %arg4[%squeeze3A_95, %squeeze3A_97, %dma_start3A_107] : memref<125000x8x32xf32, #tpu.memory_space<hbm>> -> memref<1x1x32xf32, #tpu.memory_space<hbm>>
      %dma_start3A_109 = tpu.memref_squeeze %dma_start3A_108 : memref<1x1x32xf32, #tpu.memory_space<hbm>> -> memref<1x32xf32, #tpu.memory_space<hbm>>
      tpu.enqueue_dma source(%dma_start3A_109 : memref<1x32xf32, #tpu.memory_space<hbm>>) target(%dma_start3A_106 : memref<1x32xf32, #tpu.memory_space<vmem>>) target_semaphore(%arg18 : memref<!tpu.dma_semaphore, #tpu.memory_space<semaphore_mem>>)
      %slice3A_110 = vector.extract_strided_slice %shift_right_logical3A_46 {offsets = [4], sizes = [1], strides = [1]} : vector<16xi32> to vector<1xi32>
      %squeeze3A_111 = vector.extract %slice3A_110[0] : i32 from vector<1xi32>
      %slice3A_112 = vector.extract_strided_slice %and3A_48 {offsets = [4], sizes = [1], strides = [1]} : vector<16xi32> to vector<1xi32>
      %squeeze3A_113 = vector.extract %slice3A_112[0] : i32 from vector<1xi32>
      %add3A_114 = arith.constant 4 : i32
      %add3A_115 = arith.addi %mul3A_43, %add3A_114 : i32
      %dma_start3A_116 = arith.constant 0 : i32
      %dma_start3A_117 = tpu.memref_slice %arg17[%add3A_115, %dma_start3A_116] : memref<512x32xf32, #tpu.memory_space<vmem>> -> memref<1x32xf32, #tpu.memory_space<vmem>>
      %dma_start3A_118 = arith.constant 0 : i32
      %dma_start3A_119 = tpu.memref_slice %arg4[%squeeze3A_111, %squeeze3A_113, %dma_start3A_118] : memref<125000x8x32xf32, #tpu.memory_space<hbm>> -> memref<1x1x32xf32, #tpu.memory_space<hbm>>
      %dma_start3A_120 = tpu.memref_squeeze %dma_start3A_119 : memref<1x1x32xf32, #tpu.memory_space<hbm>> -> memref<1x32xf32, #tpu.memory_space<hbm>>
      %dma_start3A_121 = arith.constant 0 : i32
      %dma_start3A_122 = tpu.memref_slice %arg17[%add3A_115, %dma_start3A_121] : memref<512x32xf32, #tpu.memory_space<vmem>> -> memref<1x32xf32, #tpu.memory_space<vmem>>
      %dma_start3A_123 = arith.constant 0 : i32
      %dma_start3A_124 = tpu.memref_slice %arg4[%squeeze3A_111, %squeeze3A_113, %dma_start3A_123] : memref<125000x8x32xf32, #tpu.memory_space<hbm>> -> memref<1x1x32xf32, #tpu.memory_space<hbm>>
      %dma_start3A_125 = tpu.memref_squeeze %dma_start3A_124 : memref<1x1x32xf32, #tpu.memory_space<hbm>> -> memref<1x32xf32, #tpu.memory_space<hbm>>
      tpu.enqueue_dma source(%dma_start3A_125 : memref<1x32xf32, #tpu.memory_space<hbm>>) target(%dma_start3A_122 : memref<1x32xf32, #tpu.memory_space<vmem>>) target_semaphore(%arg18 : memref<!tpu.dma_semaphore, #tpu.memory_space<semaphore_mem>>)
      %slice3A_126 = vector.extract_strided_slice %shift_right_logical3A_46 {offsets = [5], sizes = [1], strides = [1]} : vector<16xi32> to vector<1xi32>
      %squeeze3A_127 = vector.extract %slice3A_126[0] : i32 from vector<1xi32>
      %slice3A_128 = vector.extract_strided_slice %and3A_48 {offsets = [5], sizes = [1], strides = [1]} : vector<16xi32> to vector<1xi32>
      %squeeze3A_129 = vector.extract %slice3A_128[0] : i32 from vector<1xi32>
      %add3A_130 = arith.constant 5 : i32
      %add3A_131 = arith.addi %mul3A_43, %add3A_130 : i32
      %dma_start3A_132 = arith.constant 0 : i32
      %dma_start3A_133 = tpu.memref_slice %arg17[%add3A_131, %dma_start3A_132] : memref<512x32xf32, #tpu.memory_space<vmem>> -> memref<1x32xf32, #tpu.memory_space<vmem>>
      %dma_start3A_134 = arith.constant 0 : i32
      %dma_start3A_135 = tpu.memref_slice %arg4[%squeeze3A_127, %squeeze3A_129, %dma_start3A_134] : memref<125000x8x32xf32, #tpu.memory_space<hbm>> -> memref<1x1x32xf32, #tpu.memory_space<hbm>>
      %dma_start3A_136 = tpu.memref_squeeze %dma_start3A_135 : memref<1x1x32xf32, #tpu.memory_space<hbm>> -> memref<1x32xf32, #tpu.memory_space<hbm>>
      %dma_start3A_137 = arith.constant 0 : i32
      %dma_start3A_138 = tpu.memref_slice %arg17[%add3A_131, %dma_start3A_137] : memref<512x32xf32, #tpu.memory_space<vmem>> -> memref<1x32xf32, #tpu.memory_space<vmem>>
      %dma_start3A_139 = arith.constant 0 : i32
      %dma_start3A_140 = tpu.memref_slice %arg4[%squeeze3A_127, %squeeze3A_129, %dma_start3A_139] : memref<125000x8x32xf32, #tpu.memory_space<hbm>> -> memref<1x1x32xf32, #tpu.memory_space<hbm>>
      %dma_start3A_141 = tpu.memref_squeeze %dma_start3A_140 : memref<1x1x32xf32, #tpu.memory_space<hbm>> -> memref<1x32xf32, #tpu.memory_space<hbm>>
      tpu.enqueue_dma source(%dma_start3A_141 : memref<1x32xf32, #tpu.memory_space<hbm>>) target(%dma_start3A_138 : memref<1x32xf32, #tpu.memory_space<vmem>>) target_semaphore(%arg18 : memref<!tpu.dma_semaphore, #tpu.memory_space<semaphore_mem>>)
      %slice3A_142 = vector.extract_strided_slice %shift_right_logical3A_46 {offsets = [6], sizes = [1], strides = [1]} : vector<16xi32> to vector<1xi32>
      %squeeze3A_143 = vector.extract %slice3A_142[0] : i32 from vector<1xi32>
      %slice3A_144 = vector.extract_strided_slice %and3A_48 {offsets = [6], sizes = [1], strides = [1]} : vector<16xi32> to vector<1xi32>
      %squeeze3A_145 = vector.extract %slice3A_144[0] : i32 from vector<1xi32>
      %add3A_146 = arith.constant 6 : i32
      %add3A_147 = arith.addi %mul3A_43, %add3A_146 : i32
      %dma_start3A_148 = arith.constant 0 : i32
      %dma_start3A_149 = tpu.memref_slice %arg17[%add3A_147, %dma_start3A_148] : memref<512x32xf32, #tpu.memory_space<vmem>> -> memref<1x32xf32, #tpu.memory_space<vmem>>
      %dma_start3A_150 = arith.constant 0 : i32
      %dma_start3A_151 = tpu.memref_slice %arg4[%squeeze3A_143, %squeeze3A_145, %dma_start3A_150] : memref<125000x8x32xf32, #tpu.memory_space<hbm>> -> memref<1x1x32xf32, #tpu.memory_space<hbm>>
      %dma_start3A_152 = tpu.memref_squeeze %dma_start3A_151 : memref<1x1x32xf32, #tpu.memory_space<hbm>> -> memref<1x32xf32, #tpu.memory_space<hbm>>
      %dma_start3A_153 = arith.constant 0 : i32
      %dma_start3A_154 = tpu.memref_slice %arg17[%add3A_147, %dma_start3A_153] : memref<512x32xf32, #tpu.memory_space<vmem>> -> memref<1x32xf32, #tpu.memory_space<vmem>>
      %dma_start3A_155 = arith.constant 0 : i32
      %dma_start3A_156 = tpu.memref_slice %arg4[%squeeze3A_143, %squeeze3A_145, %dma_start3A_155] : memref<125000x8x32xf32, #tpu.memory_space<hbm>> -> memref<1x1x32xf32, #tpu.memory_space<hbm>>
      %dma_start3A_157 = tpu.memref_squeeze %dma_start3A_156 : memref<1x1x32xf32, #tpu.memory_space<hbm>> -> memref<1x32xf32, #tpu.memory_space<hbm>>
      tpu.enqueue_dma source(%dma_start3A_157 : memref<1x32xf32, #tpu.memory_space<hbm>>) target(%dma_start3A_154 : memref<1x32xf32, #tpu.memory_space<vmem>>) target_semaphore(%arg18 : memref<!tpu.dma_semaphore, #tpu.memory_space<semaphore_mem>>)
      %slice3A_158 = vector.extract_strided_slice %shift_right_logical3A_46 {offsets = [7], sizes = [1], strides = [1]} : vector<16xi32> to vector<1xi32>
      %squeeze3A_159 = vector.extract %slice3A_158[0] : i32 from vector<1xi32>
      %slice3A_160 = vector.extract_strided_slice %and3A_48 {offsets = [7], sizes = [1], strides = [1]} : vector<16xi32> to vector<1xi32>
      %squeeze3A_161 = vector.extract %slice3A_160[0] : i32 from vector<1xi32>
      %add3A_162 = arith.constant 7 : i32
      %add3A_163 = arith.addi %mul3A_43, %add3A_162 : i32
      %dma_start3A_164 = arith.constant 0 : i32
      %dma_start3A_165 = tpu.memref_slice %arg17[%add3A_163, %dma_start3A_164] : memref<512x32xf32, #tpu.memory_space<vmem>> -> memref<1x32xf32, #tpu.memory_space<vmem>>
      %dma_start3A_166 = arith.constant 0 : i32
      %dma_start3A_167 = tpu.memref_slice %arg4[%squeeze3A_159, %squeeze3A_161, %dma_start3A_166] : memref<125000x8x32xf32, #tpu.memory_space<hbm>> -> memref<1x1x32xf32, #tpu.memory_space<hbm>>
      %dma_start3A_168 = tpu.memref_squeeze %dma_start3A_167 : memref<1x1x32xf32, #tpu.memory_space<hbm>> -> memref<1x32xf32, #tpu.memory_space<hbm>>
      %dma_start3A_169 = arith.constant 0 : i32
      %dma_start3A_170 = tpu.memref_slice %arg17[%add3A_163, %dma_start3A_169] : memref<512x32xf32, #tpu.memory_space<vmem>> -> memref<1x32xf32, #tpu.memory_space<vmem>>
      %dma_start3A_171 = arith.constant 0 : i32
      %dma_start3A_172 = tpu.memref_slice %arg4[%squeeze3A_159, %squeeze3A_161, %dma_start3A_171] : memref<125000x8x32xf32, #tpu.memory_space<hbm>> -> memref<1x1x32xf32, #tpu.memory_space<hbm>>
      %dma_start3A_173 = tpu.memref_squeeze %dma_start3A_172 : memref<1x1x32xf32, #tpu.memory_space<hbm>> -> memref<1x32xf32, #tpu.memory_space<hbm>>
      tpu.enqueue_dma source(%dma_start3A_173 : memref<1x32xf32, #tpu.memory_space<hbm>>) target(%dma_start3A_170 : memref<1x32xf32, #tpu.memory_space<vmem>>) target_semaphore(%arg18 : memref<!tpu.dma_semaphore, #tpu.memory_space<semaphore_mem>>)
      %slice3A_174 = vector.extract_strided_slice %shift_right_logical3A_46 {offsets = [8], sizes = [1], strides = [1]} : vector<16xi32> to vector<1xi32>
      %squeeze3A_175 = vector.extract %slice3A_174[0] : i32 from vector<1xi32>
      %slice3A_176 = vector.extract_strided_slice %and3A_48 {offsets = [8], sizes = [1], strides = [1]} : vector<16xi32> to vector<1xi32>
      %squeeze3A_177 = vector.extract %slice3A_176[0] : i32 from vector<1xi32>
      %add3A_178 = arith.constant 8 : i32
      %add3A_179 = arith.addi %mul3A_43, %add3A_178 : i32
      %dma_start3A_180 = arith.constant 0 : i32
      %dma_start3A_181 = tpu.memref_slice %arg17[%add3A_179, %dma_start3A_180] : memref<512x32xf32, #tpu.memory_space<vmem>> -> memref<1x32xf32, #tpu.memory_space<vmem>>
      %dma_start3A_182 = arith.constant 0 : i32
      %dma_start3A_183 = tpu.memref_slice %arg4[%squeeze3A_175, %squeeze3A_177, %dma_start3A_182] : memref<125000x8x32xf32, #tpu.memory_space<hbm>> -> memref<1x1x32xf32, #tpu.memory_space<hbm>>
      %dma_start3A_184 = tpu.memref_squeeze %dma_start3A_183 : memref<1x1x32xf32, #tpu.memory_space<hbm>> -> memref<1x32xf32, #tpu.memory_space<hbm>>
      %dma_start3A_185 = arith.constant 0 : i32
      %dma_start3A_186 = tpu.memref_slice %arg17[%add3A_179, %dma_start3A_185] : memref<512x32xf32, #tpu.memory_space<vmem>> -> memref<1x32xf32, #tpu.memory_space<vmem>>
      %dma_start3A_187 = arith.constant 0 : i32
      %dma_start3A_188 = tpu.memref_slice %arg4[%squeeze3A_175, %squeeze3A_177, %dma_start3A_187] : memref<125000x8x32xf32, #tpu.memory_space<hbm>> -> memref<1x1x32xf32, #tpu.memory_space<hbm>>
      %dma_start3A_189 = tpu.memref_squeeze %dma_start3A_188 : memref<1x1x32xf32, #tpu.memory_space<hbm>> -> memref<1x32xf32, #tpu.memory_space<hbm>>
      tpu.enqueue_dma source(%dma_start3A_189 : memref<1x32xf32, #tpu.memory_space<hbm>>) target(%dma_start3A_186 : memref<1x32xf32, #tpu.memory_space<vmem>>) target_semaphore(%arg18 : memref<!tpu.dma_semaphore, #tpu.memory_space<semaphore_mem>>)
      %slice3A_190 = vector.extract_strided_slice %shift_right_logical3A_46 {offsets = [9], sizes = [1], strides = [1]} : vector<16xi32> to vector<1xi32>
      %squeeze3A_191 = vector.extract %slice3A_190[0] : i32 from vector<1xi32>
      %slice3A_192 = vector.extract_strided_slice %and3A_48 {offsets = [9], sizes = [1], strides = [1]} : vector<16xi32> to vector<1xi32>
      %squeeze3A_193 = vector.extract %slice3A_192[0] : i32 from vector<1xi32>
      %add3A_194 = arith.constant 9 : i32
      %add3A_195 = arith.addi %mul3A_43, %add3A_194 : i32
      %dma_start3A_196 = arith.constant 0 : i32
      %dma_start3A_197 = tpu.memref_slice %arg17[%add3A_195, %dma_start3A_196] : memref<512x32xf32, #tpu.memory_space<vmem>> -> memref<1x32xf32, #tpu.memory_space<vmem>>
      %dma_start3A_198 = arith.constant 0 : i32
      %dma_start3A_199 = tpu.memref_slice %arg4[%squeeze3A_191, %squeeze3A_193, %dma_start3A_198] : memref<125000x8x32xf32, #tpu.memory_space<hbm>> -> memref<1x1x32xf32, #tpu.memory_space<hbm>>
      %dma_start3A_200 = tpu.memref_squeeze %dma_start3A_199 : memref<1x1x32xf32, #tpu.memory_space<hbm>> -> memref<1x32xf32, #tpu.memory_space<hbm>>
      %dma_start3A_201 = arith.constant 0 : i32
      %dma_start3A_202 = tpu.memref_slice %arg17[%add3A_195, %dma_start3A_201] : memref<512x32xf32, #tpu.memory_space<vmem>> -> memref<1x32xf32, #tpu.memory_space<vmem>>
      %dma_start3A_203 = arith.constant 0 : i32
      %dma_start3A_204 = tpu.memref_slice %arg4[%squeeze3A_191, %squeeze3A_193, %dma_start3A_203] : memref<125000x8x32xf32, #tpu.memory_space<hbm>> -> memref<1x1x32xf32, #tpu.memory_space<hbm>>
      %dma_start3A_205 = tpu.memref_squeeze %dma_start3A_204 : memref<1x1x32xf32, #tpu.memory_space<hbm>> -> memref<1x32xf32, #tpu.memory_space<hbm>>
      tpu.enqueue_dma source(%dma_start3A_205 : memref<1x32xf32, #tpu.memory_space<hbm>>) target(%dma_start3A_202 : memref<1x32xf32, #tpu.memory_space<vmem>>) target_semaphore(%arg18 : memref<!tpu.dma_semaphore, #tpu.memory_space<semaphore_mem>>)
      %slice3A_206 = vector.extract_strided_slice %shift_right_logical3A_46 {offsets = [10], sizes = [1], strides = [1]} : vector<16xi32> to vector<1xi32>
      %squeeze3A_207 = vector.extract %slice3A_206[0] : i32 from vector<1xi32>
      %slice3A_208 = vector.extract_strided_slice %and3A_48 {offsets = [10], sizes = [1], strides = [1]} : vector<16xi32> to vector<1xi32>
      %squeeze3A_209 = vector.extract %slice3A_208[0] : i32 from vector<1xi32>
      %add3A_210 = arith.constant 10 : i32
      %add3A_211 = arith.addi %mul3A_43, %add3A_210 : i32
      %dma_start3A_212 = arith.constant 0 : i32
      %dma_start3A_213 = tpu.memref_slice %arg17[%add3A_211, %dma_start3A_212] : memref<512x32xf32, #tpu.memory_space<vmem>> -> memref<1x32xf32, #tpu.memory_space<vmem>>
      %dma_start3A_214 = arith.constant 0 : i32
      %dma_start3A_215 = tpu.memref_slice %arg4[%squeeze3A_207, %squeeze3A_209, %dma_start3A_214] : memref<125000x8x32xf32, #tpu.memory_space<hbm>> -> memref<1x1x32xf32, #tpu.memory_space<hbm>>
      %dma_start3A_216 = tpu.memref_squeeze %dma_start3A_215 : memref<1x1x32xf32, #tpu.memory_space<hbm>> -> memref<1x32xf32, #tpu.memory_space<hbm>>
      %dma_start3A_217 = arith.constant 0 : i32
      %dma_start3A_218 = tpu.memref_slice %arg17[%add3A_211, %dma_start3A_217] : memref<512x32xf32, #tpu.memory_space<vmem>> -> memref<1x32xf32, #tpu.memory_space<vmem>>
      %dma_start3A_219 = arith.constant 0 : i32
      %dma_start3A_220 = tpu.memref_slice %arg4[%squeeze3A_207, %squeeze3A_209, %dma_start3A_219] : memref<125000x8x32xf32, #tpu.memory_space<hbm>> -> memref<1x1x32xf32, #tpu.memory_space<hbm>>
      %dma_start3A_221 = tpu.memref_squeeze %dma_start3A_220 : memref<1x1x32xf32, #tpu.memory_space<hbm>> -> memref<1x32xf32, #tpu.memory_space<hbm>>
      tpu.enqueue_dma source(%dma_start3A_221 : memref<1x32xf32, #tpu.memory_space<hbm>>) target(%dma_start3A_218 : memref<1x32xf32, #tpu.memory_space<vmem>>) target_semaphore(%arg18 : memref<!tpu.dma_semaphore, #tpu.memory_space<semaphore_mem>>)
      %slice3A_222 = vector.extract_strided_slice %shift_right_logical3A_46 {offsets = [11], sizes = [1], strides = [1]} : vector<16xi32> to vector<1xi32>
      %squeeze3A_223 = vector.extract %slice3A_222[0] : i32 from vector<1xi32>
      %slice3A_224 = vector.extract_strided_slice %and3A_48 {offsets = [11], sizes = [1], strides = [1]} : vector<16xi32> to vector<1xi32>
      %squeeze3A_225 = vector.extract %slice3A_224[0] : i32 from vector<1xi32>
      %add3A_226 = arith.constant 11 : i32
      %add3A_227 = arith.addi %mul3A_43, %add3A_226 : i32
      %dma_start3A_228 = arith.constant 0 : i32
      %dma_start3A_229 = tpu.memref_slice %arg17[%add3A_227, %dma_start3A_228] : memref<512x32xf32, #tpu.memory_space<vmem>> -> memref<1x32xf32, #tpu.memory_space<vmem>>
      %dma_start3A_230 = arith.constant 0 : i32
      %dma_start3A_231 = tpu.memref_slice %arg4[%squeeze3A_223, %squeeze3A_225, %dma_start3A_230] : memref<125000x8x32xf32, #tpu.memory_space<hbm>> -> memref<1x1x32xf32, #tpu.memory_space<hbm>>
      %dma_start3A_232 = tpu.memref_squeeze %dma_start3A_231 : memref<1x1x32xf32, #tpu.memory_space<hbm>> -> memref<1x32xf32, #tpu.memory_space<hbm>>
      %dma_start3A_233 = arith.constant 0 : i32
      %dma_start3A_234 = tpu.memref_slice %arg17[%add3A_227, %dma_start3A_233] : memref<512x32xf32, #tpu.memory_space<vmem>> -> memref<1x32xf32, #tpu.memory_space<vmem>>
      %dma_start3A_235 = arith.constant 0 : i32
      %dma_start3A_236 = tpu.memref_slice %arg4[%squeeze3A_223, %squeeze3A_225, %dma_start3A_235] : memref<125000x8x32xf32, #tpu.memory_space<hbm>> -> memref<1x1x32xf32, #tpu.memory_space<hbm>>
      %dma_start3A_237 = tpu.memref_squeeze %dma_start3A_236 : memref<1x1x32xf32, #tpu.memory_space<hbm>> -> memref<1x32xf32, #tpu.memory_space<hbm>>
      tpu.enqueue_dma source(%dma_start3A_237 : memref<1x32xf32, #tpu.memory_space<hbm>>) target(%dma_start3A_234 : memref<1x32xf32, #tpu.memory_space<vmem>>) target_semaphore(%arg18 : memref<!tpu.dma_semaphore, #tpu.memory_space<semaphore_mem>>)
      %slice3A_238 = vector.extract_strided_slice %shift_right_logical3A_46 {offsets = [12], sizes = [1], strides = [1]} : vector<16xi32> to vector<1xi32>
      %squeeze3A_239 = vector.extract %slice3A_238[0] : i32 from vector<1xi32>
      %slice3A_240 = vector.extract_strided_slice %and3A_48 {offsets = [12], sizes = [1], strides = [1]} : vector<16xi32> to vector<1xi32>
      %squeeze3A_241 = vector.extract %slice3A_240[0] : i32 from vector<1xi32>
      %add3A_242 = arith.constant 12 : i32
      %add3A_243 = arith.addi %mul3A_43, %add3A_242 : i32
      %dma_start3A_244 = arith.constant 0 : i32
      %dma_start3A_245 = tpu.memref_slice %arg17[%add3A_243, %dma_start3A_244] : memref<512x32xf32, #tpu.memory_space<vmem>> -> memref<1x32xf32, #tpu.memory_space<vmem>>
      %dma_start3A_246 = arith.constant 0 : i32
      %dma_start3A_247 = tpu.memref_slice %arg4[%squeeze3A_239, %squeeze3A_241, %dma_start3A_246] : memref<125000x8x32xf32, #tpu.memory_space<hbm>> -> memref<1x1x32xf32, #tpu.memory_space<hbm>>
      %dma_start3A_248 = tpu.memref_squeeze %dma_start3A_247 : memref<1x1x32xf32, #tpu.memory_space<hbm>> -> memref<1x32xf32, #tpu.memory_space<hbm>>
      %dma_start3A_249 = arith.constant 0 : i32
      %dma_start3A_250 = tpu.memref_slice %arg17[%add3A_243, %dma_start3A_249] : memref<512x32xf32, #tpu.memory_space<vmem>> -> memref<1x32xf32, #tpu.memory_space<vmem>>
      %dma_start3A_251 = arith.constant 0 : i32
      %dma_start3A_252 = tpu.memref_slice %arg4[%squeeze3A_239, %squeeze3A_241, %dma_start3A_251] : memref<125000x8x32xf32, #tpu.memory_space<hbm>> -> memref<1x1x32xf32, #tpu.memory_space<hbm>>
      %dma_start3A_253 = tpu.memref_squeeze %dma_start3A_252 : memref<1x1x32xf32, #tpu.memory_space<hbm>> -> memref<1x32xf32, #tpu.memory_space<hbm>>
      tpu.enqueue_dma source(%dma_start3A_253 : memref<1x32xf32, #tpu.memory_space<hbm>>) target(%dma_start3A_250 : memref<1x32xf32, #tpu.memory_space<vmem>>) target_semaphore(%arg18 : memref<!tpu.dma_semaphore, #tpu.memory_space<semaphore_mem>>)
      %slice3A_254 = vector.extract_strided_slice %shift_right_logical3A_46 {offsets = [13], sizes = [1], strides = [1]} : vector<16xi32> to vector<1xi32>
      %squeeze3A_255 = vector.extract %slice3A_254[0] : i32 from vector<1xi32>
      %slice3A_256 = vector.extract_strided_slice %and3A_48 {offsets = [13], sizes = [1], strides = [1]} : vector<16xi32> to vector<1xi32>
      %squeeze3A_257 = vector.extract %slice3A_256[0] : i32 from vector<1xi32>
      %add3A_258 = arith.constant 13 : i32
      %add3A_259 = arith.addi %mul3A_43, %add3A_258 : i32
      %dma_start3A_260 = arith.constant 0 : i32
      %dma_start3A_261 = tpu.memref_slice %arg17[%add3A_259, %dma_start3A_260] : memref<512x32xf32, #tpu.memory_space<vmem>> -> memref<1x32xf32, #tpu.memory_space<vmem>>
      %dma_start3A_262 = arith.constant 0 : i32
      %dma_start3A_263 = tpu.memref_slice %arg4[%squeeze3A_255, %squeeze3A_257, %dma_start3A_262] : memref<125000x8x32xf32, #tpu.memory_space<hbm>> -> memref<1x1x32xf32, #tpu.memory_space<hbm>>
      %dma_start3A_264 = tpu.memref_squeeze %dma_start3A_263 : memref<1x1x32xf32, #tpu.memory_space<hbm>> -> memref<1x32xf32, #tpu.memory_space<hbm>>
      %dma_start3A_265 = arith.constant 0 : i32
      %dma_start3A_266 = tpu.memref_slice %arg17[%add3A_259, %dma_start3A_265] : memref<512x32xf32, #tpu.memory_space<vmem>> -> memref<1x32xf32, #tpu.memory_space<vmem>>
      %dma_start3A_267 = arith.constant 0 : i32
      %dma_start3A_268 = tpu.memref_slice %arg4[%squeeze3A_255, %squeeze3A_257, %dma_start3A_267] : memref<125000x8x32xf32, #tpu.memory_space<hbm>> -> memref<1x1x32xf32, #tpu.memory_space<hbm>>
      %dma_start3A_269 = tpu.memref_squeeze %dma_start3A_268 : memref<1x1x32xf32, #tpu.memory_space<hbm>> -> memref<1x32xf32, #tpu.memory_space<hbm>>
      tpu.enqueue_dma source(%dma_start3A_269 : memref<1x32xf32, #tpu.memory_space<hbm>>) target(%dma_start3A_266 : memref<1x32xf32, #tpu.memory_space<vmem>>) target_semaphore(%arg18 : memref<!tpu.dma_semaphore, #tpu.memory_space<semaphore_mem>>)
      %slice3A_270 = vector.extract_strided_slice %shift_right_logical3A_46 {offsets = [14], sizes = [1], strides = [1]} : vector<16xi32> to vector<1xi32>
      %squeeze3A_271 = vector.extract %slice3A_270[0] : i32 from vector<1xi32>
      %slice3A_272 = vector.extract_strided_slice %and3A_48 {offsets = [14], sizes = [1], strides = [1]} : vector<16xi32> to vector<1xi32>
      %squeeze3A_273 = vector.extract %slice3A_272[0] : i32 from vector<1xi32>
      %add3A_274 = arith.constant 14 : i32
      %add3A_275 = arith.addi %mul3A_43, %add3A_274 : i32
      %dma_start3A_276 = arith.constant 0 : i32
      %dma_start3A_277 = tpu.memref_slice %arg17[%add3A_275, %dma_start3A_276] : memref<512x32xf32, #tpu.memory_space<vmem>> -> memref<1x32xf32, #tpu.memory_space<vmem>>
      %dma_start3A_278 = arith.constant 0 : i32
      %dma_start3A_279 = tpu.memref_slice %arg4[%squeeze3A_271, %squeeze3A_273, %dma_start3A_278] : memref<125000x8x32xf32, #tpu.memory_space<hbm>> -> memref<1x1x32xf32, #tpu.memory_space<hbm>>
      %dma_start3A_280 = tpu.memref_squeeze %dma_start3A_279 : memref<1x1x32xf32, #tpu.memory_space<hbm>> -> memref<1x32xf32, #tpu.memory_space<hbm>>
      %dma_start3A_281 = arith.constant 0 : i32
      %dma_start3A_282 = tpu.memref_slice %arg17[%add3A_275, %dma_start3A_281] : memref<512x32xf32, #tpu.memory_space<vmem>> -> memref<1x32xf32, #tpu.memory_space<vmem>>
      %dma_start3A_283 = arith.constant 0 : i32
      %dma_start3A_284 = tpu.memref_slice %arg4[%squeeze3A_271, %squeeze3A_273, %dma_start3A_283] : memref<125000x8x32xf32, #tpu.memory_space<hbm>> -> memref<1x1x32xf32, #tpu.memory_space<hbm>>
      %dma_start3A_285 = tpu.memref_squeeze %dma_start3A_284 : memref<1x1x32xf32, #tpu.memory_space<hbm>> -> memref<1x32xf32, #tpu.memory_space<hbm>>
      tpu.enqueue_dma source(%dma_start3A_285 : memref<1x32xf32, #tpu.memory_space<hbm>>) target(%dma_start3A_282 : memref<1x32xf32, #tpu.memory_space<vmem>>) target_semaphore(%arg18 : memref<!tpu.dma_semaphore, #tpu.memory_space<semaphore_mem>>)
      %slice3A_286 = vector.extract_strided_slice %shift_right_logical3A_46 {offsets = [15], sizes = [1], strides = [1]} : vector<16xi32> to vector<1xi32>
      %squeeze3A_287 = vector.extract %slice3A_286[0] : i32 from vector<1xi32>
      %slice3A_288 = vector.extract_strided_slice %and3A_48 {offsets = [15], sizes = [1], strides = [1]} : vector<16xi32> to vector<1xi32>
      %squeeze3A_289 = vector.extract %slice3A_288[0] : i32 from vector<1xi32>
      %add3A_290 = arith.constant 15 : i32
      %add3A_291 = arith.addi %mul3A_43, %add3A_290 : i32
      %dma_start3A_292 = arith.constant 0 : i32
      %dma_start3A_293 = tpu.memref_slice %arg17[%add3A_291, %dma_start3A_292] : memref<512x32xf32, #tpu.memory_space<vmem>> -> memref<1x32xf32, #tpu.memory_space<vmem>>
      %dma_start3A_294 = arith.constant 0 : i32
      %dma_start3A_295 = tpu.memref_slice %arg4[%squeeze3A_287, %squeeze3A_289, %dma_start3A_294] : memref<125000x8x32xf32, #tpu.memory_space<hbm>> -> memref<1x1x32xf32, #tpu.memory_space<hbm>>
      %dma_start3A_296 = tpu.memref_squeeze %dma_start3A_295 : memref<1x1x32xf32, #tpu.memory_space<hbm>> -> memref<1x32xf32, #tpu.memory_space<hbm>>
      %dma_start3A_297 = arith.constant 0 : i32
      %dma_start3A_298 = tpu.memref_slice %arg17[%add3A_291, %dma_start3A_297] : memref<512x32xf32, #tpu.memory_space<vmem>> -> memref<1x32xf32, #tpu.memory_space<vmem>>
      %dma_start3A_299 = arith.constant 0 : i32
      %dma_start3A_300 = tpu.memref_slice %arg4[%squeeze3A_287, %squeeze3A_289, %dma_start3A_299] : memref<125000x8x32xf32, #tpu.memory_space<hbm>> -> memref<1x1x32xf32, #tpu.memory_space<hbm>>
      %dma_start3A_301 = tpu.memref_squeeze %dma_start3A_300 : memref<1x1x32xf32, #tpu.memory_space<hbm>> -> memref<1x32xf32, #tpu.memory_space<hbm>>
      tpu.enqueue_dma source(%dma_start3A_301 : memref<1x32xf32, #tpu.memory_space<hbm>>) target(%dma_start3A_298 : memref<1x32xf32, #tpu.memory_space<vmem>>) target_semaphore(%arg18 : memref<!tpu.dma_semaphore, #tpu.memory_space<semaphore_mem>>)
    }
    %scan3A_26 = arith.constant 32 : i32
    %dma_wait3A_27 = arith.constant 0 : i32
    %dma_wait3A_28 = tpu.memref_slice %arg11[%mul3A_2, %dma_wait3A_27] : memref<16384x32xf32, #tpu.memory_space<hbm>> -> memref<512x32xf32, #tpu.memory_space<hbm>>
    %dma_wait3A_29 = arith.constant 0 : i32
    %dma_wait3A_30 = tpu.memref_slice %arg11[%mul3A_2, %dma_wait3A_29] : memref<16384x32xf32, #tpu.memory_space<hbm>> -> memref<512x32xf32, #tpu.memory_space<hbm>>
    tpu.wait_dma2 semaphore(%arg18 : memref<!tpu.dma_semaphore, #tpu.memory_space<semaphore_mem>>) src(%dma_wait3A_30 : memref<512x32xf32, #tpu.memory_space<hbm>>) dst(%arg17 : memref<512x32xf32, #tpu.memory_space<vmem>>)
    "tpu.region"() ({
      %run_scoped3A = tpu.sem_alloc : memref<!tpu.dma_semaphore, #tpu.memory_space<semaphore_mem>>
      %dma_start3A = arith.constant 0 : i32
      %dma_start3A_41 = tpu.memref_slice %arg11[%mul3A_2, %dma_start3A] : memref<16384x32xf32, #tpu.memory_space<hbm>> -> memref<512x32xf32, #tpu.memory_space<hbm>>
      %dma_start3A_42 = arith.constant 0 : i32
      %dma_start3A_43 = tpu.memref_slice %arg11[%mul3A_2, %dma_start3A_42] : memref<16384x32xf32, #tpu.memory_space<hbm>> -> memref<512x32xf32, #tpu.memory_space<hbm>>
      tpu.enqueue_dma source(%arg17 : memref<512x32xf32, #tpu.memory_space<vmem>>) target(%dma_start3A_43 : memref<512x32xf32, #tpu.memory_space<hbm>>) target_semaphore(%run_scoped3A : memref<!tpu.dma_semaphore, #tpu.memory_space<semaphore_mem>>)
      %dma_wait3A_44 = arith.constant 0 : i32
      %dma_wait3A_45 = tpu.memref_slice %arg11[%mul3A_2, %dma_wait3A_44] : memref<16384x32xf32, #tpu.memory_space<hbm>> -> memref<512x32xf32, #tpu.memory_space<hbm>>
      %dma_wait3A_46 = arith.constant 0 : i32
      %dma_wait3A_47 = tpu.memref_slice %arg11[%mul3A_2, %dma_wait3A_46] : memref<16384x32xf32, #tpu.memory_space<hbm>> -> memref<512x32xf32, #tpu.memory_space<hbm>>
      tpu.wait_dma2 semaphore(%run_scoped3A : memref<!tpu.dma_semaphore, #tpu.memory_space<semaphore_mem>>) src(%arg17 : memref<512x32xf32, #tpu.memory_space<vmem>>) dst(%dma_wait3A_47 : memref<512x32xf32, #tpu.memory_space<hbm>>)
      tpu.yield
    }) : () -> ()
    %scan3A_31 = arith.constant 0 : i32
    %scan3A_32 = arith.constant 0 : i32
    %scan3A_33 = arith.constant 32 : i32
    %scan3A_34 = arith.addi %scan3A_32, %scan3A_33 : i32
    %scan3A_35 = arith.constant 1 : i32
    scf.for %scan3A_41 = %scan3A_32 to %scan3A_34 step %scan3A_35  : i32 {
      %mul3A_42 = arith.constant 16 : i32
      %mul3A_43 = arith.muli %scan3A_41, %mul3A_42 : i32
      %get3A = arith.index_cast %mul3A_43 : i32 to index
      %get3A_44 = tpu.vector_load %arg16[%get3A] {strides = array<i32>} : memref<512xi32, #tpu.memory_space<vmem>>, vector<16xi32>,
      %shift_right_logical3A = arith.constant 3 : i32
      %shift_right_logical3A_45 = vector.broadcast %shift_right_logical3A : i32 to vector<16xi32>
      %shift_right_logical3A_46 = arith.shrui %get3A_44, %shift_right_logical3A_45 : vector<16xi32>
      %and3A = arith.constant 7 : i32
      %and3A_47 = vector.broadcast %and3A : i32 to vector<16xi32>
      %and3A_48 = arith.andi %get3A_44, %and3A_47 : vector<16xi32>
      %slice3A = vector.extract_strided_slice %shift_right_logical3A_46 {offsets = [0], sizes = [1], strides = [1]} : vector<16xi32> to vector<1xi32>
      %squeeze3A = vector.extract %slice3A[0] : i32 from vector<1xi32>
      %slice3A_49 = vector.extract_strided_slice %and3A_48 {offsets = [0], sizes = [1], strides = [1]} : vector<16xi32> to vector<1xi32>
      %squeeze3A_50 = vector.extract %slice3A_49[0] : i32 from vector<1xi32>
      %add3A_51 = arith.constant 0 : i32
      %add3A_52 = arith.addi %mul3A_43, %add3A_51 : i32
      %dma_start3A = arith.constant 0 : i32
      %dma_start3A_53 = tpu.memref_slice %arg17[%add3A_52, %dma_start3A] : memref<512x32xf32, #tpu.memory_space<vmem>> -> memref<1x32xf32, #tpu.memory_space<vmem>>
      %dma_start3A_54 = arith.constant 0 : i32
      %dma_start3A_55 = tpu.memref_slice %arg4[%squeeze3A, %squeeze3A_50, %dma_start3A_54] : memref<125000x8x32xf32, #tpu.memory_space<hbm>> -> memref<1x1x32xf32, #tpu.memory_space<hbm>>
      %dma_start3A_56 = tpu.memref_squeeze %dma_start3A_55 : memref<1x1x32xf32, #tpu.memory_space<hbm>> -> memref<1x32xf32, #tpu.memory_space<hbm>>
      %dma_start3A_57 = arith.constant 0 : i32
      %dma_start3A_58 = tpu.memref_slice %arg17[%add3A_52, %dma_start3A_57] : memref<512x32xf32, #tpu.memory_space<vmem>> -> memref<1x32xf32, #tpu.memory_space<vmem>>
      %dma_start3A_59 = arith.constant 0 : i32
      %dma_start3A_60 = tpu.memref_slice %arg4[%squeeze3A, %squeeze3A_50, %dma_start3A_59] : memref<125000x8x32xf32, #tpu.memory_space<hbm>> -> memref<1x1x32xf32, #tpu.memory_space<hbm>>
      %dma_start3A_61 = tpu.memref_squeeze %dma_start3A_60 : memref<1x1x32xf32, #tpu.memory_space<hbm>> -> memref<1x32xf32, #tpu.memory_space<hbm>>
      tpu.enqueue_dma source(%dma_start3A_61 : memref<1x32xf32, #tpu.memory_space<hbm>>) target(%dma_start3A_58 : memref<1x32xf32, #tpu.memory_space<vmem>>) target_semaphore(%arg18 : memref<!tpu.dma_semaphore, #tpu.memory_space<semaphore_mem>>)
      %slice3A_62 = vector.extract_strided_slice %shift_right_logical3A_46 {offsets = [1], sizes = [1], strides = [1]} : vector<16xi32> to vector<1xi32>
      %squeeze3A_63 = vector.extract %slice3A_62[0] : i32 from vector<1xi32>
      %slice3A_64 = vector.extract_strided_slice %and3A_48 {offsets = [1], sizes = [1], strides = [1]} : vector<16xi32> to vector<1xi32>
      %squeeze3A_65 = vector.extract %slice3A_64[0] : i32 from vector<1xi32>
      %add3A_66 = arith.constant 1 : i32
      %add3A_67 = arith.addi %mul3A_43, %add3A_66 : i32
      %dma_start3A_68 = arith.constant 0 : i32
      %dma_start3A_69 = tpu.memref_slice %arg17[%add3A_67, %dma_start3A_68] : memref<512x32xf32, #tpu.memory_space<vmem>> -> memref<1x32xf32, #tpu.memory_space<vmem>>
      %dma_start3A_70 = arith.constant 0 : i32
      %dma_start3A_71 = tpu.memref_slice %arg4[%squeeze3A_63, %squeeze3A_65, %dma_start3A_70] : memref<125000x8x32xf32, #tpu.memory_space<hbm>> -> memref<1x1x32xf32, #tpu.memory_space<hbm>>
      %dma_start3A_72 = tpu.memref_squeeze %dma_start3A_71 : memref<1x1x32xf32, #tpu.memory_space<hbm>> -> memref<1x32xf32, #tpu.memory_space<hbm>>
      %dma_start3A_73 = arith.constant 0 : i32
      %dma_start3A_74 = tpu.memref_slice %arg17[%add3A_67, %dma_start3A_73] : memref<512x32xf32, #tpu.memory_space<vmem>> -> memref<1x32xf32, #tpu.memory_space<vmem>>
      %dma_start3A_75 = arith.constant 0 : i32
      %dma_start3A_76 = tpu.memref_slice %arg4[%squeeze3A_63, %squeeze3A_65, %dma_start3A_75] : memref<125000x8x32xf32, #tpu.memory_space<hbm>> -> memref<1x1x32xf32, #tpu.memory_space<hbm>>
      %dma_start3A_77 = tpu.memref_squeeze %dma_start3A_76 : memref<1x1x32xf32, #tpu.memory_space<hbm>> -> memref<1x32xf32, #tpu.memory_space<hbm>>
      tpu.enqueue_dma source(%dma_start3A_77 : memref<1x32xf32, #tpu.memory_space<hbm>>) target(%dma_start3A_74 : memref<1x32xf32, #tpu.memory_space<vmem>>) target_semaphore(%arg18 : memref<!tpu.dma_semaphore, #tpu.memory_space<semaphore_mem>>)
      %slice3A_78 = vector.extract_strided_slice %shift_right_logical3A_46 {offsets = [2], sizes = [1], strides = [1]} : vector<16xi32> to vector<1xi32>
      %squeeze3A_79 = vector.extract %slice3A_78[0] : i32 from vector<1xi32>
      %slice3A_80 = vector.extract_strided_slice %and3A_48 {offsets = [2], sizes = [1], strides = [1]} : vector<16xi32> to vector<1xi32>
      %squeeze3A_81 = vector.extract %slice3A_80[0] : i32 from vector<1xi32>
      %add3A_82 = arith.constant 2 : i32
      %add3A_83 = arith.addi %mul3A_43, %add3A_82 : i32
      %dma_start3A_84 = arith.constant 0 : i32
      %dma_start3A_85 = tpu.memref_slice %arg17[%add3A_83, %dma_start3A_84] : memref<512x32xf32, #tpu.memory_space<vmem>> -> memref<1x32xf32, #tpu.memory_space<vmem>>
      %dma_start3A_86 = arith.constant 0 : i32
      %dma_start3A_87 = tpu.memref_slice %arg4[%squeeze3A_79, %squeeze3A_81, %dma_start3A_86] : memref<125000x8x32xf32, #tpu.memory_space<hbm>> -> memref<1x1x32xf32, #tpu.memory_space<hbm>>
      %dma_start3A_88 = tpu.memref_squeeze %dma_start3A_87 : memref<1x1x32xf32, #tpu.memory_space<hbm>> -> memref<1x32xf32, #tpu.memory_space<hbm>>
      %dma_start3A_89 = arith.constant 0 : i32
      %dma_start3A_90 = tpu.memref_slice %arg17[%add3A_83, %dma_start3A_89] : memref<512x32xf32, #tpu.memory_space<vmem>> -> memref<1x32xf32, #tpu.memory_space<vmem>>
      %dma_start3A_91 = arith.constant 0 : i32
      %dma_start3A_92 = tpu.memref_slice %arg4[%squeeze3A_79, %squeeze3A_81, %dma_start3A_91] : memref<125000x8x32xf32, #tpu.memory_space<hbm>> -> memref<1x1x32xf32, #tpu.memory_space<hbm>>
      %dma_start3A_93 = tpu.memref_squeeze %dma_start3A_92 : memref<1x1x32xf32, #tpu.memory_space<hbm>> -> memref<1x32xf32, #tpu.memory_space<hbm>>
      tpu.enqueue_dma source(%dma_start3A_93 : memref<1x32xf32, #tpu.memory_space<hbm>>) target(%dma_start3A_90 : memref<1x32xf32, #tpu.memory_space<vmem>>) target_semaphore(%arg18 : memref<!tpu.dma_semaphore, #tpu.memory_space<semaphore_mem>>)
      %slice3A_94 = vector.extract_strided_slice %shift_right_logical3A_46 {offsets = [3], sizes = [1], strides = [1]} : vector<16xi32> to vector<1xi32>
      %squeeze3A_95 = vector.extract %slice3A_94[0] : i32 from vector<1xi32>
      %slice3A_96 = vector.extract_strided_slice %and3A_48 {offsets = [3], sizes = [1], strides = [1]} : vector<16xi32> to vector<1xi32>
      %squeeze3A_97 = vector.extract %slice3A_96[0] : i32 from vector<1xi32>
      %add3A_98 = arith.constant 3 : i32
      %add3A_99 = arith.addi %mul3A_43, %add3A_98 : i32
      %dma_start3A_100 = arith.constant 0 : i32
      %dma_start3A_101 = tpu.memref_slice %arg17[%add3A_99, %dma_start3A_100] : memref<512x32xf32, #tpu.memory_space<vmem>> -> memref<1x32xf32, #tpu.memory_space<vmem>>
      %dma_start3A_102 = arith.constant 0 : i32
      %dma_start3A_103 = tpu.memref_slice %arg4[%squeeze3A_95, %squeeze3A_97, %dma_start3A_102] : memref<125000x8x32xf32, #tpu.memory_space<hbm>> -> memref<1x1x32xf32, #tpu.memory_space<hbm>>
      %dma_start3A_104 = tpu.memref_squeeze %dma_start3A_103 : memref<1x1x32xf32, #tpu.memory_space<hbm>> -> memref<1x32xf32, #tpu.memory_space<hbm>>
      %dma_start3A_105 = arith.constant 0 : i32
      %dma_start3A_106 = tpu.memref_slice %arg17[%add3A_99, %dma_start3A_105] : memref<512x32xf32, #tpu.memory_space<vmem>> -> memref<1x32xf32, #tpu.memory_space<vmem>>
      %dma_start3A_107 = arith.constant 0 : i32
      %dma_start3A_108 = tpu.memref_slice %arg4[%squeeze3A_95, %squeeze3A_97, %dma_start3A_107] : memref<125000x8x32xf32, #tpu.memory_space<hbm>> -> memref<1x1x32xf32, #tpu.memory_space<hbm>>
      %dma_start3A_109 = tpu.memref_squeeze %dma_start3A_108 : memref<1x1x32xf32, #tpu.memory_space<hbm>> -> memref<1x32xf32, #tpu.memory_space<hbm>>
      tpu.enqueue_dma source(%dma_start3A_109 : memref<1x32xf32, #tpu.memory_space<hbm>>) target(%dma_start3A_106 : memref<1x32xf32, #tpu.memory_space<vmem>>) target_semaphore(%arg18 : memref<!tpu.dma_semaphore, #tpu.memory_space<semaphore_mem>>)
      %slice3A_110 = vector.extract_strided_slice %shift_right_logical3A_46 {offsets = [4], sizes = [1], strides = [1]} : vector<16xi32> to vector<1xi32>
      %squeeze3A_111 = vector.extract %slice3A_110[0] : i32 from vector<1xi32>
      %slice3A_112 = vector.extract_strided_slice %and3A_48 {offsets = [4], sizes = [1], strides = [1]} : vector<16xi32> to vector<1xi32>
      %squeeze3A_113 = vector.extract %slice3A_112[0] : i32 from vector<1xi32>
      %add3A_114 = arith.constant 4 : i32
      %add3A_115 = arith.addi %mul3A_43, %add3A_114 : i32
      %dma_start3A_116 = arith.constant 0 : i32
      %dma_start3A_117 = tpu.memref_slice %arg17[%add3A_115, %dma_start3A_116] : memref<512x32xf32, #tpu.memory_space<vmem>> -> memref<1x32xf32, #tpu.memory_space<vmem>>
      %dma_start3A_118 = arith.constant 0 : i32
      %dma_start3A_119 = tpu.memref_slice %arg4[%squeeze3A_111, %squeeze3A_113, %dma_start3A_118] : memref<125000x8x32xf32, #tpu.memory_space<hbm>> -> memref<1x1x32xf32, #tpu.memory_space<hbm>>
      %dma_start3A_120 = tpu.memref_squeeze %dma_start3A_119 : memref<1x1x32xf32, #tpu.memory_space<hbm>> -> memref<1x32xf32, #tpu.memory_space<hbm>>
      %dma_start3A_121 = arith.constant 0 : i32
      %dma_start3A_122 = tpu.memref_slice %arg17[%add3A_115, %dma_start3A_121] : memref<512x32xf32, #tpu.memory_space<vmem>> -> memref<1x32xf32, #tpu.memory_space<vmem>>
      %dma_start3A_123 = arith.constant 0 : i32
      %dma_start3A_124 = tpu.memref_slice %arg4[%squeeze3A_111, %squeeze3A_113, %dma_start3A_123] : memref<125000x8x32xf32, #tpu.memory_space<hbm>> -> memref<1x1x32xf32, #tpu.memory_space<hbm>>
      %dma_start3A_125 = tpu.memref_squeeze %dma_start3A_124 : memref<1x1x32xf32, #tpu.memory_space<hbm>> -> memref<1x32xf32, #tpu.memory_space<hbm>>
      tpu.enqueue_dma source(%dma_start3A_125 : memref<1x32xf32, #tpu.memory_space<hbm>>) target(%dma_start3A_122 : memref<1x32xf32, #tpu.memory_space<vmem>>) target_semaphore(%arg18 : memref<!tpu.dma_semaphore, #tpu.memory_space<semaphore_mem>>)
      %slice3A_126 = vector.extract_strided_slice %shift_right_logical3A_46 {offsets = [5], sizes = [1], strides = [1]} : vector<16xi32> to vector<1xi32>
      %squeeze3A_127 = vector.extract %slice3A_126[0] : i32 from vector<1xi32>
      %slice3A_128 = vector.extract_strided_slice %and3A_48 {offsets = [5], sizes = [1], strides = [1]} : vector<16xi32> to vector<1xi32>
      %squeeze3A_129 = vector.extract %slice3A_128[0] : i32 from vector<1xi32>
      %add3A_130 = arith.constant 5 : i32
      %add3A_131 = arith.addi %mul3A_43, %add3A_130 : i32
      %dma_start3A_132 = arith.constant 0 : i32
      %dma_start3A_133 = tpu.memref_slice %arg17[%add3A_131, %dma_start3A_132] : memref<512x32xf32, #tpu.memory_space<vmem>> -> memref<1x32xf32, #tpu.memory_space<vmem>>
      %dma_start3A_134 = arith.constant 0 : i32
      %dma_start3A_135 = tpu.memref_slice %arg4[%squeeze3A_127, %squeeze3A_129, %dma_start3A_134] : memref<125000x8x32xf32, #tpu.memory_space<hbm>> -> memref<1x1x32xf32, #tpu.memory_space<hbm>>
      %dma_start3A_136 = tpu.memref_squeeze %dma_start3A_135 : memref<1x1x32xf32, #tpu.memory_space<hbm>> -> memref<1x32xf32, #tpu.memory_space<hbm>>
      %dma_start3A_137 = arith.constant 0 : i32
      %dma_start3A_138 = tpu.memref_slice %arg17[%add3A_131, %dma_start3A_137] : memref<512x32xf32, #tpu.memory_space<vmem>> -> memref<1x32xf32, #tpu.memory_space<vmem>>
      %dma_start3A_139 = arith.constant 0 : i32
      %dma_start3A_140 = tpu.memref_slice %arg4[%squeeze3A_127, %squeeze3A_129, %dma_start3A_139] : memref<125000x8x32xf32, #tpu.memory_space<hbm>> -> memref<1x1x32xf32, #tpu.memory_space<hbm>>
      %dma_start3A_141 = tpu.memref_squeeze %dma_start3A_140 : memref<1x1x32xf32, #tpu.memory_space<hbm>> -> memref<1x32xf32, #tpu.memory_space<hbm>>
      tpu.enqueue_dma source(%dma_start3A_141 : memref<1x32xf32, #tpu.memory_space<hbm>>) target(%dma_start3A_138 : memref<1x32xf32, #tpu.memory_space<vmem>>) target_semaphore(%arg18 : memref<!tpu.dma_semaphore, #tpu.memory_space<semaphore_mem>>)
      %slice3A_142 = vector.extract_strided_slice %shift_right_logical3A_46 {offsets = [6], sizes = [1], strides = [1]} : vector<16xi32> to vector<1xi32>
      %squeeze3A_143 = vector.extract %slice3A_142[0] : i32 from vector<1xi32>
      %slice3A_144 = vector.extract_strided_slice %and3A_48 {offsets = [6], sizes = [1], strides = [1]} : vector<16xi32> to vector<1xi32>
      %squeeze3A_145 = vector.extract %slice3A_144[0] : i32 from vector<1xi32>
      %add3A_146 = arith.constant 6 : i32
      %add3A_147 = arith.addi %mul3A_43, %add3A_146 : i32
      %dma_start3A_148 = arith.constant 0 : i32
      %dma_start3A_149 = tpu.memref_slice %arg17[%add3A_147, %dma_start3A_148] : memref<512x32xf32, #tpu.memory_space<vmem>> -> memref<1x32xf32, #tpu.memory_space<vmem>>
      %dma_start3A_150 = arith.constant 0 : i32
      %dma_start3A_151 = tpu.memref_slice %arg4[%squeeze3A_143, %squeeze3A_145, %dma_start3A_150] : memref<125000x8x32xf32, #tpu.memory_space<hbm>> -> memref<1x1x32xf32, #tpu.memory_space<hbm>>
      %dma_start3A_152 = tpu.memref_squeeze %dma_start3A_151 : memref<1x1x32xf32, #tpu.memory_space<hbm>> -> memref<1x32xf32, #tpu.memory_space<hbm>>
      %dma_start3A_153 = arith.constant 0 : i32
      %dma_start3A_154 = tpu.memref_slice %arg17[%add3A_147, %dma_start3A_153] : memref<512x32xf32, #tpu.memory_space<vmem>> -> memref<1x32xf32, #tpu.memory_space<vmem>>
      %dma_start3A_155 = arith.constant 0 : i32
      %dma_start3A_156 = tpu.memref_slice %arg4[%squeeze3A_143, %squeeze3A_145, %dma_start3A_155] : memref<125000x8x32xf32, #tpu.memory_space<hbm>> -> memref<1x1x32xf32, #tpu.memory_space<hbm>>
      %dma_start3A_157 = tpu.memref_squeeze %dma_start3A_156 : memref<1x1x32xf32, #tpu.memory_space<hbm>> -> memref<1x32xf32, #tpu.memory_space<hbm>>
      tpu.enqueue_dma source(%dma_start3A_157 : memref<1x32xf32, #tpu.memory_space<hbm>>) target(%dma_start3A_154 : memref<1x32xf32, #tpu.memory_space<vmem>>) target_semaphore(%arg18 : memref<!tpu.dma_semaphore, #tpu.memory_space<semaphore_mem>>)
      %slice3A_158 = vector.extract_strided_slice %shift_right_logical3A_46 {offsets = [7], sizes = [1], strides = [1]} : vector<16xi32> to vector<1xi32>
      %squeeze3A_159 = vector.extract %slice3A_158[0] : i32 from vector<1xi32>
      %slice3A_160 = vector.extract_strided_slice %and3A_48 {offsets = [7], sizes = [1], strides = [1]} : vector<16xi32> to vector<1xi32>
      %squeeze3A_161 = vector.extract %slice3A_160[0] : i32 from vector<1xi32>
      %add3A_162 = arith.constant 7 : i32
      %add3A_163 = arith.addi %mul3A_43, %add3A_162 : i32
      %dma_start3A_164 = arith.constant 0 : i32
      %dma_start3A_165 = tpu.memref_slice %arg17[%add3A_163, %dma_start3A_164] : memref<512x32xf32, #tpu.memory_space<vmem>> -> memref<1x32xf32, #tpu.memory_space<vmem>>
      %dma_start3A_166 = arith.constant 0 : i32
      %dma_start3A_167 = tpu.memref_slice %arg4[%squeeze3A_159, %squeeze3A_161, %dma_start3A_166] : memref<125000x8x32xf32, #tpu.memory_space<hbm>> -> memref<1x1x32xf32, #tpu.memory_space<hbm>>
      %dma_start3A_168 = tpu.memref_squeeze %dma_start3A_167 : memref<1x1x32xf32, #tpu.memory_space<hbm>> -> memref<1x32xf32, #tpu.memory_space<hbm>>
      %dma_start3A_169 = arith.constant 0 : i32
      %dma_start3A_170 = tpu.memref_slice %arg17[%add3A_163, %dma_start3A_169] : memref<512x32xf32, #tpu.memory_space<vmem>> -> memref<1x32xf32, #tpu.memory_space<vmem>>
      %dma_start3A_171 = arith.constant 0 : i32
      %dma_start3A_172 = tpu.memref_slice %arg4[%squeeze3A_159, %squeeze3A_161, %dma_start3A_171] : memref<125000x8x32xf32, #tpu.memory_space<hbm>> -> memref<1x1x32xf32, #tpu.memory_space<hbm>>
      %dma_start3A_173 = tpu.memref_squeeze %dma_start3A_172 : memref<1x1x32xf32, #tpu.memory_space<hbm>> -> memref<1x32xf32, #tpu.memory_space<hbm>>
      tpu.enqueue_dma source(%dma_start3A_173 : memref<1x32xf32, #tpu.memory_space<hbm>>) target(%dma_start3A_170 : memref<1x32xf32, #tpu.memory_space<vmem>>) target_semaphore(%arg18 : memref<!tpu.dma_semaphore, #tpu.memory_space<semaphore_mem>>)
      %slice3A_174 = vector.extract_strided_slice %shift_right_logical3A_46 {offsets = [8], sizes = [1], strides = [1]} : vector<16xi32> to vector<1xi32>
      %squeeze3A_175 = vector.extract %slice3A_174[0] : i32 from vector<1xi32>
      %slice3A_176 = vector.extract_strided_slice %and3A_48 {offsets = [8], sizes = [1], strides = [1]} : vector<16xi32> to vector<1xi32>
      %squeeze3A_177 = vector.extract %slice3A_176[0] : i32 from vector<1xi32>
      %add3A_178 = arith.constant 8 : i32
      %add3A_179 = arith.addi %mul3A_43, %add3A_178 : i32
      %dma_start3A_180 = arith.constant 0 : i32
      %dma_start3A_181 = tpu.memref_slice %arg17[%add3A_179, %dma_start3A_180] : memref<512x32xf32, #tpu.memory_space<vmem>> -> memref<1x32xf32, #tpu.memory_space<vmem>>
      %dma_start3A_182 = arith.constant 0 : i32
      %dma_start3A_183 = tpu.memref_slice %arg4[%squeeze3A_175, %squeeze3A_177, %dma_start3A_182] : memref<125000x8x32xf32, #tpu.memory_space<hbm>> -> memref<1x1x32xf32, #tpu.memory_space<hbm>>
      %dma_start3A_184 = tpu.memref_squeeze %dma_start3A_183 : memref<1x1x32xf32, #tpu.memory_space<hbm>> -> memref<1x32xf32, #tpu.memory_space<hbm>>
      %dma_start3A_185 = arith.constant 0 : i32
      %dma_start3A_186 = tpu.memref_slice %arg17[%add3A_179, %dma_start3A_185] : memref<512x32xf32, #tpu.memory_space<vmem>> -> memref<1x32xf32, #tpu.memory_space<vmem>>
      %dma_start3A_187 = arith.constant 0 : i32
      %dma_start3A_188 = tpu.memref_slice %arg4[%squeeze3A_175, %squeeze3A_177, %dma_start3A_187] : memref<125000x8x32xf32, #tpu.memory_space<hbm>> -> memref<1x1x32xf32, #tpu.memory_space<hbm>>
      %dma_start3A_189 = tpu.memref_squeeze %dma_start3A_188 : memref<1x1x32xf32, #tpu.memory_space<hbm>> -> memref<1x32xf32, #tpu.memory_space<hbm>>
      tpu.enqueue_dma source(%dma_start3A_189 : memref<1x32xf32, #tpu.memory_space<hbm>>) target(%dma_start3A_186 : memref<1x32xf32, #tpu.memory_space<vmem>>) target_semaphore(%arg18 : memref<!tpu.dma_semaphore, #tpu.memory_space<semaphore_mem>>)
      %slice3A_190 = vector.extract_strided_slice %shift_right_logical3A_46 {offsets = [9], sizes = [1], strides = [1]} : vector<16xi32> to vector<1xi32>
      %squeeze3A_191 = vector.extract %slice3A_190[0] : i32 from vector<1xi32>
      %slice3A_192 = vector.extract_strided_slice %and3A_48 {offsets = [9], sizes = [1], strides = [1]} : vector<16xi32> to vector<1xi32>
      %squeeze3A_193 = vector.extract %slice3A_192[0] : i32 from vector<1xi32>
      %add3A_194 = arith.constant 9 : i32
      %add3A_195 = arith.addi %mul3A_43, %add3A_194 : i32
      %dma_start3A_196 = arith.constant 0 : i32
      %dma_start3A_197 = tpu.memref_slice %arg17[%add3A_195, %dma_start3A_196] : memref<512x32xf32, #tpu.memory_space<vmem>> -> memref<1x32xf32, #tpu.memory_space<vmem>>
      %dma_start3A_198 = arith.constant 0 : i32
      %dma_start3A_199 = tpu.memref_slice %arg4[%squeeze3A_191, %squeeze3A_193, %dma_start3A_198] : memref<125000x8x32xf32, #tpu.memory_space<hbm>> -> memref<1x1x32xf32, #tpu.memory_space<hbm>>
      %dma_start3A_200 = tpu.memref_squeeze %dma_start3A_199 : memref<1x1x32xf32, #tpu.memory_space<hbm>> -> memref<1x32xf32, #tpu.memory_space<hbm>>
      %dma_start3A_201 = arith.constant 0 : i32
      %dma_start3A_202 = tpu.memref_slice %arg17[%add3A_195, %dma_start3A_201] : memref<512x32xf32, #tpu.memory_space<vmem>> -> memref<1x32xf32, #tpu.memory_space<vmem>>
      %dma_start3A_203 = arith.constant 0 : i32
      %dma_start3A_204 = tpu.memref_slice %arg4[%squeeze3A_191, %squeeze3A_193, %dma_start3A_203] : memref<125000x8x32xf32, #tpu.memory_space<hbm>> -> memref<1x1x32xf32, #tpu.memory_space<hbm>>
      %dma_start3A_205 = tpu.memref_squeeze %dma_start3A_204 : memref<1x1x32xf32, #tpu.memory_space<hbm>> -> memref<1x32xf32, #tpu.memory_space<hbm>>
      tpu.enqueue_dma source(%dma_start3A_205 : memref<1x32xf32, #tpu.memory_space<hbm>>) target(%dma_start3A_202 : memref<1x32xf32, #tpu.memory_space<vmem>>) target_semaphore(%arg18 : memref<!tpu.dma_semaphore, #tpu.memory_space<semaphore_mem>>)
      %slice3A_206 = vector.extract_strided_slice %shift_right_logical3A_46 {offsets = [10], sizes = [1], strides = [1]} : vector<16xi32> to vector<1xi32>
      %squeeze3A_207 = vector.extract %slice3A_206[0] : i32 from vector<1xi32>
      %slice3A_208 = vector.extract_strided_slice %and3A_48 {offsets = [10], sizes = [1], strides = [1]} : vector<16xi32> to vector<1xi32>
      %squeeze3A_209 = vector.extract %slice3A_208[0] : i32 from vector<1xi32>
      %add3A_210 = arith.constant 10 : i32
      %add3A_211 = arith.addi %mul3A_43, %add3A_210 : i32
      %dma_start3A_212 = arith.constant 0 : i32
      %dma_start3A_213 = tpu.memref_slice %arg17[%add3A_211, %dma_start3A_212] : memref<512x32xf32, #tpu.memory_space<vmem>> -> memref<1x32xf32, #tpu.memory_space<vmem>>
      %dma_start3A_214 = arith.constant 0 : i32
      %dma_start3A_215 = tpu.memref_slice %arg4[%squeeze3A_207, %squeeze3A_209, %dma_start3A_214] : memref<125000x8x32xf32, #tpu.memory_space<hbm>> -> memref<1x1x32xf32, #tpu.memory_space<hbm>>
      %dma_start3A_216 = tpu.memref_squeeze %dma_start3A_215 : memref<1x1x32xf32, #tpu.memory_space<hbm>> -> memref<1x32xf32, #tpu.memory_space<hbm>>
      %dma_start3A_217 = arith.constant 0 : i32
      %dma_start3A_218 = tpu.memref_slice %arg17[%add3A_211, %dma_start3A_217] : memref<512x32xf32, #tpu.memory_space<vmem>> -> memref<1x32xf32, #tpu.memory_space<vmem>>
      %dma_start3A_219 = arith.constant 0 : i32
      %dma_start3A_220 = tpu.memref_slice %arg4[%squeeze3A_207, %squeeze3A_209, %dma_start3A_219] : memref<125000x8x32xf32, #tpu.memory_space<hbm>> -> memref<1x1x32xf32, #tpu.memory_space<hbm>>
      %dma_start3A_221 = tpu.memref_squeeze %dma_start3A_220 : memref<1x1x32xf32, #tpu.memory_space<hbm>> -> memref<1x32xf32, #tpu.memory_space<hbm>>
      tpu.enqueue_dma source(%dma_start3A_221 : memref<1x32xf32, #tpu.memory_space<hbm>>) target(%dma_start3A_218 : memref<1x32xf32, #tpu.memory_space<vmem>>) target_semaphore(%arg18 : memref<!tpu.dma_semaphore, #tpu.memory_space<semaphore_mem>>)
      %slice3A_222 = vector.extract_strided_slice %shift_right_logical3A_46 {offsets = [11], sizes = [1], strides = [1]} : vector<16xi32> to vector<1xi32>
      %squeeze3A_223 = vector.extract %slice3A_222[0] : i32 from vector<1xi32>
      %slice3A_224 = vector.extract_strided_slice %and3A_48 {offsets = [11], sizes = [1], strides = [1]} : vector<16xi32> to vector<1xi32>
      %squeeze3A_225 = vector.extract %slice3A_224[0] : i32 from vector<1xi32>
      %add3A_226 = arith.constant 11 : i32
      %add3A_227 = arith.addi %mul3A_43, %add3A_226 : i32
      %dma_start3A_228 = arith.constant 0 : i32
      %dma_start3A_229 = tpu.memref_slice %arg17[%add3A_227, %dma_start3A_228] : memref<512x32xf32, #tpu.memory_space<vmem>> -> memref<1x32xf32, #tpu.memory_space<vmem>>
      %dma_start3A_230 = arith.constant 0 : i32
      %dma_start3A_231 = tpu.memref_slice %arg4[%squeeze3A_223, %squeeze3A_225, %dma_start3A_230] : memref<125000x8x32xf32, #tpu.memory_space<hbm>> -> memref<1x1x32xf32, #tpu.memory_space<hbm>>
      %dma_start3A_232 = tpu.memref_squeeze %dma_start3A_231 : memref<1x1x32xf32, #tpu.memory_space<hbm>> -> memref<1x32xf32, #tpu.memory_space<hbm>>
      %dma_start3A_233 = arith.constant 0 : i32
      %dma_start3A_234 = tpu.memref_slice %arg17[%add3A_227, %dma_start3A_233] : memref<512x32xf32, #tpu.memory_space<vmem>> -> memref<1x32xf32, #tpu.memory_space<vmem>>
      %dma_start3A_235 = arith.constant 0 : i32
      %dma_start3A_236 = tpu.memref_slice %arg4[%squeeze3A_223, %squeeze3A_225, %dma_start3A_235] : memref<125000x8x32xf32, #tpu.memory_space<hbm>> -> memref<1x1x32xf32, #tpu.memory_space<hbm>>
      %dma_start3A_237 = tpu.memref_squeeze %dma_start3A_236 : memref<1x1x32xf32, #tpu.memory_space<hbm>> -> memref<1x32xf32, #tpu.memory_space<hbm>>
      tpu.enqueue_dma source(%dma_start3A_237 : memref<1x32xf32, #tpu.memory_space<hbm>>) target(%dma_start3A_234 : memref<1x32xf32, #tpu.memory_space<vmem>>) target_semaphore(%arg18 : memref<!tpu.dma_semaphore, #tpu.memory_space<semaphore_mem>>)
      %slice3A_238 = vector.extract_strided_slice %shift_right_logical3A_46 {offsets = [12], sizes = [1], strides = [1]} : vector<16xi32> to vector<1xi32>
      %squeeze3A_239 = vector.extract %slice3A_238[0] : i32 from vector<1xi32>
      %slice3A_240 = vector.extract_strided_slice %and3A_48 {offsets = [12], sizes = [1], strides = [1]} : vector<16xi32> to vector<1xi32>
      %squeeze3A_241 = vector.extract %slice3A_240[0] : i32 from vector<1xi32>
      %add3A_242 = arith.constant 12 : i32
      %add3A_243 = arith.addi %mul3A_43, %add3A_242 : i32
      %dma_start3A_244 = arith.constant 0 : i32
      %dma_start3A_245 = tpu.memref_slice %arg17[%add3A_243, %dma_start3A_244] : memref<512x32xf32, #tpu.memory_space<vmem>> -> memref<1x32xf32, #tpu.memory_space<vmem>>
      %dma_start3A_246 = arith.constant 0 : i32
      %dma_start3A_247 = tpu.memref_slice %arg4[%squeeze3A_239, %squeeze3A_241, %dma_start3A_246] : memref<125000x8x32xf32, #tpu.memory_space<hbm>> -> memref<1x1x32xf32, #tpu.memory_space<hbm>>
      %dma_start3A_248 = tpu.memref_squeeze %dma_start3A_247 : memref<1x1x32xf32, #tpu.memory_space<hbm>> -> memref<1x32xf32, #tpu.memory_space<hbm>>
      %dma_start3A_249 = arith.constant 0 : i32
      %dma_start3A_250 = tpu.memref_slice %arg17[%add3A_243, %dma_start3A_249] : memref<512x32xf32, #tpu.memory_space<vmem>> -> memref<1x32xf32, #tpu.memory_space<vmem>>
      %dma_start3A_251 = arith.constant 0 : i32
      %dma_start3A_252 = tpu.memref_slice %arg4[%squeeze3A_239, %squeeze3A_241, %dma_start3A_251] : memref<125000x8x32xf32, #tpu.memory_space<hbm>> -> memref<1x1x32xf32, #tpu.memory_space<hbm>>
      %dma_start3A_253 = tpu.memref_squeeze %dma_start3A_252 : memref<1x1x32xf32, #tpu.memory_space<hbm>> -> memref<1x32xf32, #tpu.memory_space<hbm>>
      tpu.enqueue_dma source(%dma_start3A_253 : memref<1x32xf32, #tpu.memory_space<hbm>>) target(%dma_start3A_250 : memref<1x32xf32, #tpu.memory_space<vmem>>) target_semaphore(%arg18 : memref<!tpu.dma_semaphore, #tpu.memory_space<semaphore_mem>>)
      %slice3A_254 = vector.extract_strided_slice %shift_right_logical3A_46 {offsets = [13], sizes = [1], strides = [1]} : vector<16xi32> to vector<1xi32>
      %squeeze3A_255 = vector.extract %slice3A_254[0] : i32 from vector<1xi32>
      %slice3A_256 = vector.extract_strided_slice %and3A_48 {offsets = [13], sizes = [1], strides = [1]} : vector<16xi32> to vector<1xi32>
      %squeeze3A_257 = vector.extract %slice3A_256[0] : i32 from vector<1xi32>
      %add3A_258 = arith.constant 13 : i32
      %add3A_259 = arith.addi %mul3A_43, %add3A_258 : i32
      %dma_start3A_260 = arith.constant 0 : i32
      %dma_start3A_261 = tpu.memref_slice %arg17[%add3A_259, %dma_start3A_260] : memref<512x32xf32, #tpu.memory_space<vmem>> -> memref<1x32xf32, #tpu.memory_space<vmem>>
      %dma_start3A_262 = arith.constant 0 : i32
      %dma_start3A_263 = tpu.memref_slice %arg4[%squeeze3A_255, %squeeze3A_257, %dma_start3A_262] : memref<125000x8x32xf32, #tpu.memory_space<hbm>> -> memref<1x1x32xf32, #tpu.memory_space<hbm>>
      %dma_start3A_264 = tpu.memref_squeeze %dma_start3A_263 : memref<1x1x32xf32, #tpu.memory_space<hbm>> -> memref<1x32xf32, #tpu.memory_space<hbm>>
      %dma_start3A_265 = arith.constant 0 : i32
      %dma_start3A_266 = tpu.memref_slice %arg17[%add3A_259, %dma_start3A_265] : memref<512x32xf32, #tpu.memory_space<vmem>> -> memref<1x32xf32, #tpu.memory_space<vmem>>
      %dma_start3A_267 = arith.constant 0 : i32
      %dma_start3A_268 = tpu.memref_slice %arg4[%squeeze3A_255, %squeeze3A_257, %dma_start3A_267] : memref<125000x8x32xf32, #tpu.memory_space<hbm>> -> memref<1x1x32xf32, #tpu.memory_space<hbm>>
      %dma_start3A_269 = tpu.memref_squeeze %dma_start3A_268 : memref<1x1x32xf32, #tpu.memory_space<hbm>> -> memref<1x32xf32, #tpu.memory_space<hbm>>
      tpu.enqueue_dma source(%dma_start3A_269 : memref<1x32xf32, #tpu.memory_space<hbm>>) target(%dma_start3A_266 : memref<1x32xf32, #tpu.memory_space<vmem>>) target_semaphore(%arg18 : memref<!tpu.dma_semaphore, #tpu.memory_space<semaphore_mem>>)
      %slice3A_270 = vector.extract_strided_slice %shift_right_logical3A_46 {offsets = [14], sizes = [1], strides = [1]} : vector<16xi32> to vector<1xi32>
      %squeeze3A_271 = vector.extract %slice3A_270[0] : i32 from vector<1xi32>
      %slice3A_272 = vector.extract_strided_slice %and3A_48 {offsets = [14], sizes = [1], strides = [1]} : vector<16xi32> to vector<1xi32>
      %squeeze3A_273 = vector.extract %slice3A_272[0] : i32 from vector<1xi32>
      %add3A_274 = arith.constant 14 : i32
      %add3A_275 = arith.addi %mul3A_43, %add3A_274 : i32
      %dma_start3A_276 = arith.constant 0 : i32
      %dma_start3A_277 = tpu.memref_slice %arg17[%add3A_275, %dma_start3A_276] : memref<512x32xf32, #tpu.memory_space<vmem>> -> memref<1x32xf32, #tpu.memory_space<vmem>>
      %dma_start3A_278 = arith.constant 0 : i32
      %dma_start3A_279 = tpu.memref_slice %arg4[%squeeze3A_271, %squeeze3A_273, %dma_start3A_278] : memref<125000x8x32xf32, #tpu.memory_space<hbm>> -> memref<1x1x32xf32, #tpu.memory_space<hbm>>
      %dma_start3A_280 = tpu.memref_squeeze %dma_start3A_279 : memref<1x1x32xf32, #tpu.memory_space<hbm>> -> memref<1x32xf32, #tpu.memory_space<hbm>>
      %dma_start3A_281 = arith.constant 0 : i32
      %dma_start3A_282 = tpu.memref_slice %arg17[%add3A_275, %dma_start3A_281] : memref<512x32xf32, #tpu.memory_space<vmem>> -> memref<1x32xf32, #tpu.memory_space<vmem>>
      %dma_start3A_283 = arith.constant 0 : i32
      %dma_start3A_284 = tpu.memref_slice %arg4[%squeeze3A_271, %squeeze3A_273, %dma_start3A_283] : memref<125000x8x32xf32, #tpu.memory_space<hbm>> -> memref<1x1x32xf32, #tpu.memory_space<hbm>>
      %dma_start3A_285 = tpu.memref_squeeze %dma_start3A_284 : memref<1x1x32xf32, #tpu.memory_space<hbm>> -> memref<1x32xf32, #tpu.memory_space<hbm>>
      tpu.enqueue_dma source(%dma_start3A_285 : memref<1x32xf32, #tpu.memory_space<hbm>>) target(%dma_start3A_282 : memref<1x32xf32, #tpu.memory_space<vmem>>) target_semaphore(%arg18 : memref<!tpu.dma_semaphore, #tpu.memory_space<semaphore_mem>>)
      %slice3A_286 = vector.extract_strided_slice %shift_right_logical3A_46 {offsets = [15], sizes = [1], strides = [1]} : vector<16xi32> to vector<1xi32>
      %squeeze3A_287 = vector.extract %slice3A_286[0] : i32 from vector<1xi32>
      %slice3A_288 = vector.extract_strided_slice %and3A_48 {offsets = [15], sizes = [1], strides = [1]} : vector<16xi32> to vector<1xi32>
      %squeeze3A_289 = vector.extract %slice3A_288[0] : i32 from vector<1xi32>
      %add3A_290 = arith.constant 15 : i32
      %add3A_291 = arith.addi %mul3A_43, %add3A_290 : i32
      %dma_start3A_292 = arith.constant 0 : i32
      %dma_start3A_293 = tpu.memref_slice %arg17[%add3A_291, %dma_start3A_292] : memref<512x32xf32, #tpu.memory_space<vmem>> -> memref<1x32xf32, #tpu.memory_space<vmem>>
      %dma_start3A_294 = arith.constant 0 : i32
      %dma_start3A_295 = tpu.memref_slice %arg4[%squeeze3A_287, %squeeze3A_289, %dma_start3A_294] : memref<125000x8x32xf32, #tpu.memory_space<hbm>> -> memref<1x1x32xf32, #tpu.memory_space<hbm>>
      %dma_start3A_296 = tpu.memref_squeeze %dma_start3A_295 : memref<1x1x32xf32, #tpu.memory_space<hbm>> -> memref<1x32xf32, #tpu.memory_space<hbm>>
      %dma_start3A_297 = arith.constant 0 : i32
      %dma_start3A_298 = tpu.memref_slice %arg17[%add3A_291, %dma_start3A_297] : memref<512x32xf32, #tpu.memory_space<vmem>> -> memref<1x32xf32, #tpu.memory_space<vmem>>
      %dma_start3A_299 = arith.constant 0 : i32
      %dma_start3A_300 = tpu.memref_slice %arg4[%squeeze3A_287, %squeeze3A_289, %dma_start3A_299] : memref<125000x8x32xf32, #tpu.memory_space<hbm>> -> memref<1x1x32xf32, #tpu.memory_space<hbm>>
      %dma_start3A_301 = tpu.memref_squeeze %dma_start3A_300 : memref<1x1x32xf32, #tpu.memory_space<hbm>> -> memref<1x32xf32, #tpu.memory_space<hbm>>
      tpu.enqueue_dma source(%dma_start3A_301 : memref<1x32xf32, #tpu.memory_space<hbm>>) target(%dma_start3A_298 : memref<1x32xf32, #tpu.memory_space<vmem>>) target_semaphore(%arg18 : memref<!tpu.dma_semaphore, #tpu.memory_space<semaphore_mem>>)
    }
    %scan3A_36 = arith.constant 32 : i32
    %dma_wait3A_37 = arith.constant 0 : i32
    %dma_wait3A_38 = tpu.memref_slice %arg12[%mul3A_2, %dma_wait3A_37] : memref<16384x32xf32, #tpu.memory_space<hbm>> -> memref<512x32xf32, #tpu.memory_space<hbm>>
    %dma_wait3A_39 = arith.constant 0 : i32
    %dma_wait3A_40 = tpu.memref_slice %arg12[%mul3A_2, %dma_wait3A_39] : memref<16384x32xf32, #tpu.memory_space<hbm>> -> memref<512x32xf32, #tpu.memory_space<hbm>>
    tpu.wait_dma2 semaphore(%arg18 : memref<!tpu.dma_semaphore, #tpu.memory_space<semaphore_mem>>) src(%dma_wait3A_40 : memref<512x32xf32, #tpu.memory_space<hbm>>) dst(%arg17 : memref<512x32xf32, #tpu.memory_space<vmem>>)
    "tpu.region"() ({
      %run_scoped3A = tpu.sem_alloc : memref<!tpu.dma_semaphore, #tpu.memory_space<semaphore_mem>>
      %dma_start3A = arith.constant 0 : i32
      %dma_start3A_41 = tpu.memref_slice %arg12[%mul3A_2, %dma_start3A] : memref<16384x32xf32, #tpu.memory_space<hbm>> -> memref<512x32xf32, #tpu.memory_space<hbm>>
      %dma_start3A_42 = arith.constant 0 : i32
      %dma_start3A_43 = tpu.memref_slice %arg12[%mul3A_2, %dma_start3A_42] : memref<16384x32xf32, #tpu.memory_space<hbm>> -> memref<512x32xf32, #tpu.memory_space<hbm>>
      tpu.enqueue_dma source(%arg17 : memref<512x32xf32, #tpu.memory_space<vmem>>) target(%dma_start3A_43 : memref<512x32xf32, #tpu.memory_space<hbm>>) target_semaphore(%run_scoped3A : memref<!tpu.dma_semaphore, #tpu.memory_space<semaphore_mem>>)
      %dma_wait3A_44 = arith.constant 0 : i32
      %dma_wait3A_45 = tpu.memref_slice %arg12[%mul3A_2, %dma_wait3A_44] : memref<16384x32xf32, #tpu.memory_space<hbm>> -> memref<512x32xf32, #tpu.memory_space<hbm>>
      %dma_wait3A_46 = arith.constant 0 : i32
      %dma_wait3A_47 = tpu.memref_slice %arg12[%mul3A_2, %dma_wait3A_46] : memref<16384x32xf32, #tpu.memory_space<hbm>> -> memref<512x32xf32, #tpu.memory_space<hbm>>
      tpu.wait_dma2 semaphore(%run_scoped3A : memref<!tpu.dma_semaphore, #tpu.memory_space<semaphore_mem>>) src(%arg17 : memref<512x32xf32, #tpu.memory_space<vmem>>) dst(%dma_wait3A_47 : memref<512x32xf32, #tpu.memory_space<hbm>>)
      tpu.yield
    }) : () -> ()
    return
  }
}

module attributes {stable_mosaic.version = 14 : i64} {
  func.func @_tc_body(%arg0: i32, %arg1: memref<4096x32xf32, #tpu.memory_space<vmem>>, %arg2: memref<4096x32xf32, #tpu.memory_space<vmem>>, %arg3: memref<4096x32xf32, #tpu.memory_space<vmem>>, %arg4: memref<4096x32xf32, #tpu.memory_space<vmem>>, %arg5: memref<32x32xf32, #tpu.memory_space<vmem>>, %arg6: memref<32x32xf32, #tpu.memory_space<vmem>>, %arg7: memref<1x32xf32, #tpu.memory_space<vmem>>, %arg8: memref<1x32xf32, #tpu.memory_space<vmem>>, %arg9: memref<4096xf32, #tpu.memory_space<vmem>>) attributes {dimension_semantics = [#tpu.dimension_semantics<arbitrary>], iteration_bounds = array<i64: 4>, scalar_prefetch = 0 : i64, scratch_operands = 0 : i64, tpu.core_type = #tpu.core_type<tc>, window_params = [{transform_indices = @transform_0, window_bounds = array<i64: 4096, 32>}, {transform_indices = @transform_1, window_bounds = array<i64: 4096, 32>}, {transform_indices = @transform_2, window_bounds = array<i64: 4096, 32>}, {transform_indices = @transform_3, window_bounds = array<i64: 4096, 32>}, {pipeline_mode = #tpu.pipeline_mode<synchronous>, transform_indices = @transform_4, window_bounds = array<i64: 32, 32>}, {pipeline_mode = #tpu.pipeline_mode<synchronous>, transform_indices = @transform_5, window_bounds = array<i64: 32, 32>}, {pipeline_mode = #tpu.pipeline_mode<synchronous>, transform_indices = @transform_6, window_bounds = array<i64: 1, 32>}, {pipeline_mode = #tpu.pipeline_mode<synchronous>, transform_indices = @transform_7, window_bounds = array<i64: 1, 32>}, {transform_indices = @transform_8, window_bounds = array<i64: 4096>}]} {
    %get3A = arith.constant 0 : index
    %get3A_0 = arith.constant 0 : index
    %get3A_1 = vector.load %arg3[%get3A, %get3A_0] : memref<4096x32xf32, #tpu.memory_space<vmem>>, vector<4096x32xf32>
    %get3A_2 = arith.constant 0 : index
    %get3A_3 = arith.constant 0 : index
    %get3A_4 = vector.load %arg4[%get3A_2, %get3A_3] : memref<4096x32xf32, #tpu.memory_space<vmem>>, vector<4096x32xf32>
    %get3A_5 = arith.constant 0 : index
    %get3A_6 = arith.constant 0 : index
    %get3A_7 = vector.load %arg5[%get3A_5, %get3A_6] : memref<32x32xf32, #tpu.memory_space<vmem>>, vector<32x32xf32>
    %get3A_8 = arith.constant 0 : index
    %get3A_9 = arith.constant 0 : index
    %get3A_10 = vector.load %arg6[%get3A_8, %get3A_9] : memref<32x32xf32, #tpu.memory_space<vmem>>, vector<32x32xf32>
    %get3A_11 = arith.constant 0 : index
    %get3A_12 = arith.constant 0 : index
    %get3A_13 = vector.load %arg7[%get3A_11, %get3A_12] : memref<1x32xf32, #tpu.memory_space<vmem>>, vector<1x32xf32>
    %get3A_14 = arith.constant 0 : index
    %get3A_15 = arith.constant 0 : index
    %get3A_16 = vector.load %arg8[%get3A_14, %get3A_15] : memref<1x32xf32, #tpu.memory_space<vmem>>, vector<1x32xf32>
    %dot_general3A = arith.constant dense<0.000000e+00> : vector<4096x32xf32>
    %dot_general3A_17 = tpu.matmul %get3A_1, %get3A_7, %dot_general3A {dimension_numbers = #tpu.dot_dimension_numbers<[1], [0], [0], [1], [0, 0, 1, 1], [], []>, transpose_lhs_hint = false} : vector<4096x32xf32>, vector<32x32xf32>, vector<4096x32xf32> -> vector<4096x32xf32>
    %add3A = vector.broadcast %get3A_13 : vector<1x32xf32> to vector<4096x32xf32>
    %add3A_18 = arith.addf %dot_general3A_17, %add3A : vector<4096x32xf32>
    %logistic3A = arith.negf %add3A_18 : vector<4096x32xf32>
    %logistic3A_19 = math.exp %logistic3A : vector<4096x32xf32>
    %logistic3A_20 = arith.constant 1.000000e+00 : f32
    %logistic3A_21 = vector.broadcast %logistic3A_20 : f32 to vector<4096x32xf32>
    %logistic3A_22 = arith.addf %logistic3A_21, %logistic3A_19 : vector<4096x32xf32>
    %logistic3A_23 = arith.divf %logistic3A_21, %logistic3A_22 : vector<4096x32xf32>
    %dot_general3A_24 = arith.constant dense<0.000000e+00> : vector<4096x32xf32>
    %dot_general3A_25 = tpu.matmul %get3A_1, %get3A_10, %dot_general3A_24 {dimension_numbers = #tpu.dot_dimension_numbers<[1], [0], [0], [1], [0, 0, 1, 1], [], []>, transpose_lhs_hint = false} : vector<4096x32xf32>, vector<32x32xf32>, vector<4096x32xf32> -> vector<4096x32xf32>
    %add3A_26 = vector.broadcast %get3A_16 : vector<1x32xf32> to vector<4096x32xf32>
    %add3A_27 = arith.addf %dot_general3A_25, %add3A_26 : vector<4096x32xf32>
    %logistic3A_28 = arith.negf %add3A_27 : vector<4096x32xf32>
    %logistic3A_29 = math.exp %logistic3A_28 : vector<4096x32xf32>
    %logistic3A_30 = arith.constant 1.000000e+00 : f32
    %logistic3A_31 = vector.broadcast %logistic3A_30 : f32 to vector<4096x32xf32>
    %logistic3A_32 = arith.addf %logistic3A_31, %logistic3A_29 : vector<4096x32xf32>
    %logistic3A_33 = arith.divf %logistic3A_31, %logistic3A_32 : vector<4096x32xf32>
    %dot_general3A_34 = arith.constant dense<0.000000e+00> : vector<4096x32xf32>
    %dot_general3A_35 = tpu.matmul %get3A_4, %get3A_7, %dot_general3A_34 {dimension_numbers = #tpu.dot_dimension_numbers<[1], [0], [0], [1], [0, 0, 1, 1], [], []>, transpose_lhs_hint = false} : vector<4096x32xf32>, vector<32x32xf32>, vector<4096x32xf32> -> vector<4096x32xf32>
    %add3A_36 = vector.broadcast %get3A_13 : vector<1x32xf32> to vector<4096x32xf32>
    %add3A_37 = arith.addf %dot_general3A_35, %add3A_36 : vector<4096x32xf32>
    %logistic3A_38 = arith.negf %add3A_37 : vector<4096x32xf32>
    %logistic3A_39 = math.exp %logistic3A_38 : vector<4096x32xf32>
    %logistic3A_40 = arith.constant 1.000000e+00 : f32
    %logistic3A_41 = vector.broadcast %logistic3A_40 : f32 to vector<4096x32xf32>
    %logistic3A_42 = arith.addf %logistic3A_41, %logistic3A_39 : vector<4096x32xf32>
    %logistic3A_43 = arith.divf %logistic3A_41, %logistic3A_42 : vector<4096x32xf32>
    %dot_general3A_44 = arith.constant dense<0.000000e+00> : vector<4096x32xf32>
    %dot_general3A_45 = tpu.matmul %get3A_4, %get3A_10, %dot_general3A_44 {dimension_numbers = #tpu.dot_dimension_numbers<[1], [0], [0], [1], [0, 0, 1, 1], [], []>, transpose_lhs_hint = false} : vector<4096x32xf32>, vector<32x32xf32>, vector<4096x32xf32> -> vector<4096x32xf32>
    %add3A_46 = vector.broadcast %get3A_16 : vector<1x32xf32> to vector<4096x32xf32>
    %add3A_47 = arith.addf %dot_general3A_45, %add3A_46 : vector<4096x32xf32>
    %logistic3A_48 = arith.negf %add3A_47 : vector<4096x32xf32>
    %logistic3A_49 = math.exp %logistic3A_48 : vector<4096x32xf32>
    %logistic3A_50 = arith.constant 1.000000e+00 : f32
    %logistic3A_51 = vector.broadcast %logistic3A_50 : f32 to vector<4096x32xf32>
    %logistic3A_52 = arith.addf %logistic3A_51, %logistic3A_49 : vector<4096x32xf32>
    %logistic3A_53 = arith.divf %logistic3A_51, %logistic3A_52 : vector<4096x32xf32>
    %get3A_54 = arith.constant 0 : index
    %get3A_55 = arith.constant 0 : index
    %get3A_56 = vector.load %arg1[%get3A_54, %get3A_55] : memref<4096x32xf32, #tpu.memory_space<vmem>>, vector<4096x32xf32>
    %sub3A = arith.subf %logistic3A_23, %logistic3A_43 : vector<4096x32xf32>
    %mul3A = arith.mulf %get3A_56, %sub3A : vector<4096x32xf32>
    %get3A_57 = arith.constant 0 : index
    %get3A_58 = arith.constant 0 : index
    %get3A_59 = vector.load %arg2[%get3A_57, %get3A_58] : memref<4096x32xf32, #tpu.memory_space<vmem>>, vector<4096x32xf32>
    %sub3A_60 = arith.subf %logistic3A_33, %logistic3A_53 : vector<4096x32xf32>
    %mul3A_61 = arith.mulf %get3A_59, %sub3A_60 : vector<4096x32xf32>
    %add3A_62 = arith.addf %mul3A, %mul3A_61 : vector<4096x32xf32>
    %reduce_sum3A = arith.constant dense<0.000000e+00> : vector<4096xf32>
    %reduce_sum3A_63 = vector.multi_reduction <add>, %add3A_62, %reduce_sum3A [1] : vector<4096x32xf32> to vector<4096xf32>
    %swap3A = arith.constant 0 : index
    %swap3A_64 = vector.load %arg9[%swap3A] : memref<4096xf32, #tpu.memory_space<vmem>>, vector<4096xf32>
    tpu.vector_store %arg9[%swap3A], %reduce_sum3A_63 {strides = array<i32>} : memref<4096xf32, #tpu.memory_space<vmem>>, vector<4096xf32>,
    return
  }
  func.func @transform_0(%arg0: i32) -> (i32, i32) {
    %c0_i32 = arith.constant 0 : i32
    %c0_i32_0 = arith.constant 0 : i32
    return %arg0, %c0_i32 : i32, i32
  }
  func.func @transform_1(%arg0: i32) -> (i32, i32) {
    %c0_i32 = arith.constant 0 : i32
    %c0_i32_0 = arith.constant 0 : i32
    return %arg0, %c0_i32 : i32, i32
  }
  func.func @transform_2(%arg0: i32) -> (i32, i32) {
    %c0_i32 = arith.constant 0 : i32
    %c0_i32_0 = arith.constant 0 : i32
    return %arg0, %c0_i32 : i32, i32
  }
  func.func @transform_3(%arg0: i32) -> (i32, i32) {
    %c0_i32 = arith.constant 0 : i32
    %c0_i32_0 = arith.constant 0 : i32
    return %arg0, %c0_i32 : i32, i32
  }
  func.func @transform_4(%arg0: i32) -> (i32, i32) {
    %c0_i32 = arith.constant 0 : i32
    %c0_i32_0 = arith.constant 0 : i32
    %c0_i32_1 = arith.constant 0 : i32
    return %c0_i32, %c0_i32_0 : i32, i32
  }
  func.func @transform_5(%arg0: i32) -> (i32, i32) {
    %c0_i32 = arith.constant 0 : i32
    %c0_i32_0 = arith.constant 0 : i32
    %c0_i32_1 = arith.constant 0 : i32
    return %c0_i32, %c0_i32_0 : i32, i32
  }
  func.func @transform_6(%arg0: i32) -> (i32, i32) {
    %c0_i32 = arith.constant 0 : i32
    %c0_i32_0 = arith.constant 0 : i32
    %c0_i32_1 = arith.constant 0 : i32
    return %c0_i32, %c0_i32_0 : i32, i32
  }
  func.func @transform_7(%arg0: i32) -> (i32, i32) {
    %c0_i32 = arith.constant 0 : i32
    %c0_i32_0 = arith.constant 0 : i32
    %c0_i32_1 = arith.constant 0 : i32
    return %c0_i32, %c0_i32_0 : i32, i32
  }
  func.func @transform_8(%arg0: i32) -> i32 {
    %c0_i32 = arith.constant 0 : i32
    return %arg0 : i32
  }
}

</mosaic_0001>

<sc_bundles>
// kernel: kernel.4.cloned.1.call-start
scs
__scs_entry_jumppad:
0x0: {  	(pc) =	sbr.rel $0x88, $3  }
0x1: {  	(tag) =	ssettag $0x0;
	lr =	simm.s32 $0x1  }
0x2: {  	[smem:$0x3F99] =	sst lr;
	_ =	strace $0xD0000000  }
0x3: {  	_ = 	snop  }
0x4: {  	_ = 	snop  }
0x5: {  	_ = 	snop  }
0x6: {  	_ = 	snop  }
0x7: {  	_ = 	snop  }
__scs_overlays_trampoline_lowered:
0x8: {  	[smem:$0x3FA8] =	sst s0  }
0x9: {  	[smem:$0x3FA9] =	sst s1  }
0xa: {  	[smem:$0x3FAA] =	sst s2  }
0xb: {  	[smem:$0x3FAB] =	sst s3  }
0xc: {  	[smem:$0x3FAC] =	sst s4  }
0xd: {  	[smem:$0x3FAD] =	sst s5  }
0xe: {  	[smem:$0x3FAE] =	sst s6  }
0xf: {  	[smem:$0x3FAF] =	sst s7  }
0x10: {  	[smem:$0x3FB0] =	sst s8  }
0x11: {  	[smem:$0x3FB1] =	sst s9;
	s0 =	simm.s32 @!p0 $0x0  }
0x12: {  	s1 =	sld [smem:$0x3F97];
	s0 =	simm.s32 @p0 $0x1  }
0x13: {  	[smem:$0x3FB2] =	sst s0;
	s0 =	simm.s32 @!p1 $0x0  }
0x14: {  	s2 =	sld [smem:$0x3F96];
	s0 =	simm.s32 @p1 $0x1  }
0x15: {  	[smem:$0x3FB3] =	sst s0;
	s0 =	simm.s32 @!p2 $0x0  }
0x16: {  	s3 =	sld [smem:$0x3FDB];
	s0 =	simm.s32 @p2 $0x1  }
0x17: {  	s4 =	simm.s32 $0x1BF5;
	[smem:$0x3FB5] =	sst s0  }
0x18: {  	s0 =	sld [smem:$0x3F98];
	_ =	swait.ge [sflag:s4], $0x0  }
0x19: {  	s7 =	sld [smem:$0x3F99]  }
0x1a: {  	s8 =	sadd.s32 $0xFFFFE003, lr  }
0x1b: {  	s9 =	sadd.s32 $0xFFFFFEF7, lr;
	s5 =	simm.s32 $0xFFFFFFFF;
	p2 =	slt.u32 s8, $0xFFFFF086  }
0x1c: {  	p1 =	slt.u32 s9, $0xF7A;
	s5 =	simm.s32 @!p2 $0x0  }
0x1d: {  	s5 =	simm.s32 @p1 $0x1;
	p0 =	seq.s32 s7, s2  }
0x1e: {  	s7 =	smul.u32 @!p0 $0xF7A, s2;
	p2 =	seq.s32 @!p0 s5, $0x0  }
0x1f: {  	s9 =	smul.u32 $0xF7A, s1;
	s8 =	simm.s32 @!p0 $0x1BF5;
	p2 =	por !p2, p0  }
0x20: {  	[sflag:s8] =	ssyncset.s32 @!p0 $0xFFFFF086;
	s6 =	sadd.s32 @!p0 s3, s7;
	s7 =	simm.s32 @!p0 $0x108  }
0x21: {  	s3 =	sadd.s32 s3, s9;
	s6 =	sadd.s32 @!p0 $0x88, s6;
	s7 =	simm.s32 @p2 $0x1082  }
0x22: {  	[simem:s7], [sflag:s8] =	dma.local @!p0 [hbm:s6], $0xF7A  }
0x23: {  	s9 =	sor.u32 $0xD0000000, s2;
	s6 =	simm.s32 $0x108;
	_ =	swait.ge @!p0 [sflag:s8], $0x0  }
0x24: {  	s3 =	sadd.s32 $0x88, s3;
	s6 =	simm.s32 @!p1 $0x1082;
	[sflag:s4] =	ssyncset.s32 $0xFFFFF086  }
0x25: {  	[simem:s6], [sflag:s4] =	dma.local [hbm:s3], $0xF7A  }
0x26: {  	[smem:$0x3F99] =	sst s1;
	(tag) =	ssettag s2;
	_ =	strace s9  }
0x27: {  	s1 =	sld [smem:$0x3FA9]  }
0x28: {  	s2 =	sld [smem:$0x3FAA]  }
0x29: {  	s4 =	sld [smem:$0x3FAC]  }
0x2a: {  	p0 =	seq.s32 s5, $0x0;
	s5 =	sld [smem:$0x3FAD]  }
0x2b: {  	s6 =	sld [smem:$0x3FAE]  }
0x2c: {  	s7 =	sld [smem:$0x3FAF]  }
0x2d: {  	s3 =	simm.s32 $0x108;
	s8 =	sld [smem:$0x3FB0]  }
0x2e: {  	s3 =	simm.s32 @!p0 $0x1082;
	s9 =	sld [smem:$0x3FB1]  }
0x2f: {  	lr =	sadd.s32 s0, s3;
	s0 =	sld [smem:$0x3FA8]  }
0x30: {  	s3 =	sld [smem:$0x3FAB]  }
0x31: {  	[smem:$0x3FB4] =	sst s10  }
0x32: {  	s10 =	sld [smem:$0x3FB2];
	_ =	sdelay $0x3  }
0x33: {  	p0 =	seq.s32 s10, $0x1;
	s10 =	sld [smem:$0x3FB4];
	_ =	sdelay $0x3  }
0x34: {  	[smem:$0x3FB4] =	sst s10  }
0x35: {  	s10 =	sld [smem:$0x3FB3];
	_ =	sdelay $0x3  }
0x36: {  	p1 =	seq.s32 s10, $0x1;
	s10 =	sld [smem:$0x3FB4];
	_ =	sdelay $0x3  }
0x37: {  	[smem:$0x3FB4] =	sst s10  }
0x38: {  	s10 =	sld [smem:$0x3FB5]  }
0x39: {  	_ = 	snop;
	(pc) =	sbr.ind lr, $3  }
0x3a: {  	_ = 	snop  }
0x3b: {  	_ = 	snop  }
0x3c: {  	p2 =	seq.s32 s10, $0x1;
	s10 =	sld [smem:$0x3FB4]  }
0x3d: {  	_ =	shalt  }
0x3e: {  	_ =	shalt  }
0x3f: {  	_ =	shalt  }
0x40: {  	_ =	shalt  }
0x41: {  	_ =	shalt  }
0x42: {  	_ =	shalt  }
0x43: {  	_ =	shalt  }
0x44: {  	_ =	shalt  }
0x45: {  	_ =	shalt  }
0x46: {  	_ =	shalt  }
0x47: {  	_ =	shalt  }
0x48: {  	_ =	shalt  }
0x49: {  	_ =	shalt  }
0x4a: {  	_ =	shalt  }
0x4b: {  	_ =	shalt  }
0x4c: {  	_ =	shalt  }
0x4d: {  	_ =	shalt  }
0x4e: {  	_ =	shalt  }
0x4f: {  	_ =	shalt  }
0x50: {  	_ =	shalt  }
0x51: {  	_ =	shalt  }
0x52: {  	_ =	shalt  }
0x53: {  	_ =	shalt  }
0x54: {  	_ =	shalt  }
0x55: {  	_ =	shalt  }
0x56: {  	_ =	shalt  }
0x57: {  	_ =	shalt  }
0x58: {  	_ =	shalt  }
0x59: {  	_ =	shalt  }
0x5a: {  	_ =	shalt  }
0x5b: {  	_ =	shalt  }
0x5c: {  	_ =	shalt  }
0x5d: {  	_ =	shalt  }
0x5e: {  	_ =	shalt  }
0x5f: {  	_ =	shalt  }
0x60: {  	_ =	shalt  }
0x61: {  	_ =	shalt  }
0x62: {  	_ =	shalt  }
0x63: {  	_ =	shalt  }
0x64: {  	_ =	shalt  }
0x65: {  	_ =	shalt  }
0x66: {  	_ =	shalt  }
0x67: {  	_ =	shalt  }
0x68: {  	_ =	shalt  }
0x69: {  	_ =	shalt  }
0x6a: {  	_ =	shalt  }
0x6b: {  	_ =	shalt  }
0x6c: {  	_ =	shalt  }
0x6d: {  	_ =	shalt  }
0x6e: {  	_ =	shalt  }
0x6f: {  	_ =	shalt  }
0x70: {  	_ =	shalt  }
0x71: {  	_ =	shalt  }
0x72: {  	_ =	shalt  }
0x73: {  	_ =	shalt  }
0x74: {  	_ =	shalt  }
0x75: {  	_ =	shalt  }
0x76: {  	_ =	shalt  }
0x77: {  	_ =	shalt  }
0x78: {  	_ =	shalt  }
0x79: {  	_ =	shalt  }
0x7a: {  	_ =	shalt  }
0x7b: {  	_ =	shalt  }
0x7c: {  	_ =	shalt  }
0x7d: {  	_ =	shalt  }
0x7e: {  	_ =	shalt  }
0x7f: {  	_ =	shalt  }
0x80: {  	_ =	shalt  }
0x81: {  	_ =	shalt  }
0x82: {  	_ =	shalt  }
0x83: {  	_ =	shalt  }
0x84: {  	_ =	shalt  }
0x85: {  	_ =	shalt  }
0x86: {  	_ =	shalt  }
0x87: {  	_ =	shalt  }
.Lfunc_end0:
.L_simem_size_0:
called_computation_lowered:
.L_overlay_start_0:
0x88: {  	s2 =	sld [smem:$0x3FD9]  }
0x89: {  	s3 =	sld [smem:$0x3FFE];
	_ =	sdelay $0x1  }
0x8a: {  	s1 =	srdreg.scid  }
0x8b: {  	s0 =	sand.u32 $0x1, s1  }
0x8c: {  	s17 =	sshll.u32 s0, $0xA;
	s2 =	sadd.s32 s3, s2  }
0x8d: {  	s2 =	sadd.s32 s2, s17  }
0x8e: {  	[smem:$0x3FC0] =	sst s2  }
0x8f: {  	_ = 	snop  }
0x90: {  	s2 =	sld [smem:$0x3FD0];
	(tm) =	ssettm $0x1  }
0x91: {  	s18 =	sld [smem:$0x3FFB];
	_ =	sdelay $0x3  }
0x92: {  	_ =	strace s18  }
0x93: {  	s3 =	sld [smem:$0x3FFC];
	_ =	sdelay $0x3  }
0x94: {  	_ =	strace s3  }
0x95: {  	s3 =	sld [smem:$0x3FFD];
	_ =	sdelay $0x3  }
0x96: {  	_ =	strace s3  }
0x97: {  	_ =	strace $0x8FFFFFFF  }
0x98: {  	s19 =	sld [smem:$0x3FDB];
	_ =	sdelay $0x1  }
0x99: {  	s4 =	simm.s32 $_scs_section_size  }
0x9a: {  	s5 =	simm.s32 $_size__tile_overlayer_lowered;
	s6 =	simm.s32 $_tile_overlayer_lowered  }
0x9b: {  	s22 =	simm.s32 $0x1BFF;
	s21 =	sshll.u32 s6, $0x1;
	s3 =	sadd.s32 s4, s19  }
0x9c: {  	s7 =	simm.s32 $0x0;
	s20 =	sshll.u32 s5, $0x1;
	s5 =	sadd.s32 s21, s3  }
0x9d: {  	[timem:s7], [sflag:s22] =	dma.local [hbm:s5], s20  }
0x9e: {  	_ =	swait.ge [sflag:s22], s20  }
0x9f: {  	s4 =	ssub.s32 $0x0, s20;
	[sflag:s22] =	ssyncset.done $0x0  }
0xa0: {  	[sflag:s22] =	ssyncadd.s32 s4;
	_ =	sdelay $0x1  }
0xa1: {  	s23 =	simm.s32 $0x1B8B  }
0xa2: {  	_ =	swait.ge [sflag:s23], $0x1  }
0xa3: {  	[sflag:s23] =	ssyncset.done $0x0  }
0xa4: {  	s25 =	simm.s32 $0x1B8E;
	s24 =	sld [smem:$0x3FFE];
	[sflag:s23] =	ssyncadd.s32 $0xFFFFFFFF  }
0xa5: {  	s26 =	simm.s32 $execute0_lowered;
	[smem:$0x3FD2] =	sst s25  }
0xa6: {  	s5 =	sshll.u32 s26, $0x1;
	_ =	strace $0x80000046;
	[dreg:$0x1] =	wrdreg $0xFFFFFFFF  }
0xa7: {  	s28 =	simm.s32 $_size_execute0_lowered;
	s3 =	sadd.s32 s3, s5;
	[dreg:$0x0] =	wrdreg $0x0  }
0xa8: {  	s5 =	sshll.u32 s28, $0x1;
	[dreg:$0x2] =	wrdreg s3  }
0xa9: {  	[dreg:$0x3] =	wrdreg s5  }
0xaa: {  	[dreg:$0x4] =	wrdreg $0xC0  }
0xab: {  	_ =	task [dreg:s7], $0x5FFFF  }
0xac: {  	[dreg:$0x1] =	wrdreg $0xFFFFFFFF  }
0xad: {  	[dreg:$0x0] =	wrdreg $0x60  }
0xae: {  	[dreg:$0x2] =	wrdreg s24  }
0xaf: {  	[dreg:$0x3] =	wrdreg s2  }
0xb0: {  	[dreg:$0x4] =	wrdreg $0x9  }
0xb1: {  	_ =	task.clear_ibuf [dreg:s7], $0x5FFFF;
	_ =	strace $0x90000046  }
0xb2: {  	s29 =	simm.s32 $0x9;
	_ =	strace $0x80000048  }
0xb3: {  	_ =	swait.ge [sflag:s29], $0x1  }
0xb4: {  	[sflag:s29] =	ssyncadd.s32 $0xFFFFFFFF  }
0xb5: {  	_ =	strace $0x90000048  }
0xb6: {  	_ =	sfence  }
0xb7: {  	s30 =	sld [smem:$0x0];
	_ =	sdelay $0x2  }
0xb8: {  	s31 =	sshll.u32 s1, $0xD;
	s1 =	sshrl.u32 s1, $0x2  }
0xb9: {  	s3 =	sand.u32 $0x4000, s31;
	s1 =	sadd.s32 s1, s30  }
0xba: {  	s0 =	sor.u32 s3, s0;
	s1 =	sshll.u32 s1, $0x11  }
0xbb: {  	s0 =	sor.u32 s1, s0  }
0xbc: {  	s0 =	sadd.s32 $0x8F2B, s0  }
0xbd: {  	[sflag:s0] =	ssyncadd.remote.s32 $0x1  }
0xbe: {  	_ =	sfence.sel $0xFFFF  }
0xbf: {  	[dreg:$0x0] =	wrdreg $0xFFFFFFFF;
	(pc) =	sbr.abs _section_cstart, $3  }
0xc0: {  	[dreg:$0x1] =	wrdreg $0xFFFFFFFF  }
0xc1: {  	_ =	task.clear_ibuf [dreg:s7], $0x2FFFF;
	_ =	strace $0x9FFFFFFF  }
0xc2: {  	(tm) =	ssettm $0x7FFFFFFF  }
0xc3: {  	_ =	shalt  }
tec
execute0_lowered:
.L_overlay_start_1:
0x0: {  	(tag) =	ssettag $0x1  }
0x1: {  	s6 =	rddreg [dreg:$0x0]  }
0x2: {  	s10 =	rddreg [dreg:$0x1]  }
0x3: {  	s0 =	rddreg [dreg:$0x2];
	s2 =	simm.s32 $0x0;
	s3 =	srdreg.scid  }
0x4: {  	s1 =	stileid.u32;
	s15 =	simm.s32 $0x2;
	s16 =	simm.s32 $0x200  }
0x5: {  	s17 =	simm.s32 $0x400;
	s18 =	simm.s32 $0x600;
	s19 =	simm.s32 $0x1  }
0x6: {  	s20 =	simm.s32 $0x800;
	s21 =	simm.s32 $0x0;
	[smem:$0x7FF] =	sst s2  }
0x7: {  	s7 =	sand.u32 $0x1, s3;
	s5 =	sshll.u32 s1, $0xA;
	s4 =	sadd.s32 $0xF45200, s6  }
0x8: {  	s3 =	sadd.s32 $0x2E00, s6;
	_ =	strace $0x80000047;
	s8 =	sshll.u32 s7, $0x9  }
0x9: {  	s7 =	ssub.s32 $0x2, s7;
	s8 =	sor.u32 s8, s5;
	s5 =	sadd.s32 $0x1E87600, s6  }
0xa: {  	s12 =	sshrl.u32 s7, $0x1;
	s11 =	sshrl.u32 s8, $0x3;
	s8 =	sshll.u32 s8, $0x4  }
0xb: {  	s14 =	ssub.s32 s7, s12;
	s9 =	sadd.s32 s11, s6;
	s13 =	sadd.s32 s8, s6  }
0xc: {  	s6 =	sadd.s32 $0x2600, s9;
	s7 =	sadd.s32 $0x1E00, s9;
	s8 =	sadd.s32 $0x1600, s9  }
0xd: {  	s10 =	sadd.s32 s10, s11;
	s9 =	sadd.s32 $0x2DC9A00, s13;
	s11 =	sadd.s32 $0x2E09A00, s13  }
0xe: {  	s14 =	smax.u32 s14, $0x1;
	s12 =	sadd.s32 $0x2E49A00, s13;
	s13 =	sadd.s32 $0x2E89A00, s13  }
.LBB2_1:
0xf: {  	[tilespmem:s2], [sflag:$0x2] =	stream.linear.gather [hbm4b:s6+s2], $0x200, $0x38;
	[tilespmem:$0x10800] =	vst v63  }
0x10: {  	_ =	swait.ge [sflag:s15], $0x200  }
0x11: {  	[sflag:s15] =	ssyncset.done $0x0  }
0x12: {  	[sflag:s15] =	ssyncadd.s32 $0xFFFFFE00  }
0x13: {  	[tilespmem:s16], [sflag:$0x2] =	stream.linear.gather [hbm4b:s7+s2], $0x200, $0x38;
	[tilespmem:$0x10800] =	vst v63  }
0x14: {  	_ =	swait.ge [sflag:s15], $0x200  }
0x15: {  	[sflag:s15] =	ssyncset.done $0x0  }
0x16: {  	[sflag:s15] =	ssyncadd.s32 $0xFFFFFE00  }
0x17: {  	[tilespmem:s17], [sflag:$0x2] =	stream.linear.gather [hbm4b:s8+s2], $0x200, $0x38;
	[tilespmem:$0x10800] =	vst v63  }
0x18: {  	_ =	swait.ge [sflag:s15], $0x200  }
0x19: {  	[sflag:s15] =	ssyncset.done $0x0  }
0x1a: {  	[sflag:s15] =	ssyncadd.s32 $0xFFFFFE00  }
0x1b: {  	[tilespmem:s18], [sflag:$0x2] =	stream.linear.gather [hbm4b:s10+s2], $0x200, $0x38;
	[tilespmem:$0x10800] =	vst v63  }
0x1c: {  	_ =	swait.ge [sflag:s15], $0x200  }
0x1d: {  	[sflag:s15] =	ssyncset.done $0x0  }
0x1e: {  	s22 =	simm.s32 $0x0;
	s23 =	simm.s32 $0x0;
	[sflag:s15] =	ssyncadd.s32 $0xFFFFFE00  }
.LBB2_2:
0x1f: {  	v0 =	vld [tilespmem:s22+$0x0];
	_ =	sdelay $0x4  }
0x20: {  	v1 =	vshrl.u32 v0, $0x3  }
0x21: {  	v0 =	vand.u32 $0x7, v0;
	v1 =	vshll.u32 v1, $0xA  }
0x22: {  	v0 =	vshll.u32 v0, $0x7;
	(v2sf) =	vpush v1, $0x0  }
0x23: {  	(v2sf) =	vpush v0, $0x0;
	_ =	sdelay $0x2  }
0x24: {  	(v2sf) =	vpush v1, $0x1  }
0x25: {  	(v2sf) =	vpush v0, $0x1;
	_ =	sdelay $0x2  }
0x26: {  	(v2sf) =	vpush v1, $0x2  }
0x27: {  	(v2sf) =	vpush v0, $0x2;
	_ =	sdelay $0x5  }
0x28: {  	s24 =	spop (v2sf);
	(v2sf) =	vpush v1, $0x3  }
0x29: {  	s25 =	spop (v2sf);
	(v2sf) =	vpush v0, $0x3;
	_ =	sdelay $0x2  }
0x2a: {  	s25 =	sor.u32 s25, s24;
	s29 =	spop (v2sf);
	(v2sf) =	vpush v1, $0x4  }
0x2b: {  	s24 =	sshra.s32 s23, $0x2;
	s25 =	sshrl.u32 s25, $0x3;
	s30 =	spop (v2sf);
	(v2sf) =	vpush v0, $0x4  }
0x2c: {  	s26 =	sadd.s32 $0x800, s24;
	s25 =	sadd.s32 s3, s25  }
0x2d: {  	[tilespmem:s26], [sflag:$0x1] =	stream.linear.gather [hbm4b:s25+s2], $0x80, $0x38;
	[tilespmem:$0x10800] =	vst v63  }
0x2e: {  	s26 =	spop (v2sf);
	(v2sf) =	vpush v1, $0x5  }
0x2f: {  	s28 =	spop (v2sf);
	(v2sf) =	vpush v0, $0x5;
	_ =	sdelay $0x1  }
0x30: {  	s25 =	sor.u32 s30, s29  }
0x31: {  	s25 =	sshrl.u32 s25, $0x3  }
0x32: {  	s31 =	sadd.s32 $0x880, s24;
	s25 =	sadd.s32 s3, s25  }
0x33: {  	[tilespmem:s31], [sflag:$0x1] =	stream.linear.gather [hbm4b:s25+s2], $0x80, $0x38;
	[tilespmem:$0x10800] =	vst v63  }
0x34: {  	s25 =	sor.u32 s28, s26;
	s30 =	spop (v2sf);
	(v2sf) =	vpush v1, $0x6  }
0x35: {  	s25 =	sshrl.u32 s25, $0x3;
	s31 =	spop (v2sf);
	(v2sf) =	vpush v0, $0x6  }
0x36: {  	s29 =	sadd.s32 $0x900, s24;
	s25 =	sadd.s32 s3, s25  }
0x37: {  	[tilespmem:s29], [sflag:$0x1] =	stream.linear.gather [hbm4b:s25+s2], $0x80, $0x38;
	[tilespmem:$0x10800] =	vst v63  }
0x38: {  	s25 =	sor.u32 s31, s30;
	s29 =	spop (v2sf);
	(v2sf) =	vpush v1, $0x7  }
0x39: {  	s25 =	sshrl.u32 s25, $0x3;
	s30 =	spop (v2sf);
	(v2sf) =	vpush v0, $0x7  }
0x3a: {  	s28 =	sadd.s32 $0x980, s24;
	s25 =	sadd.s32 s3, s25  }
0x3b: {  	[tilespmem:s28], [sflag:$0x1] =	stream.linear.gather [hbm4b:s25+s2], $0x80, $0x38;
	[tilespmem:$0x10800] =	vst v63  }
0x3c: {  	s26 =	spop (v2sf);
	(v2sf) =	vpush v1, $0x8  }
0x3d: {  	s28 =	spop (v2sf);
	(v2sf) =	vpush v0, $0x8;
	_ =	sdelay $0x1  }
0x3e: {  	s25 =	sor.u32 s30, s29  }
0x3f: {  	s25 =	sshrl.u32 s25, $0x3  }
0x40: {  	s31 =	sadd.s32 $0xA00, s24;
	s25 =	sadd.s32 s3, s25  }
0x41: {  	[tilespmem:s31], [sflag:$0x1] =	stream.linear.gather [hbm4b:s25+s2], $0x80, $0x38;
	[tilespmem:$0x10800] =	vst v63  }
0x42: {  	s25 =	sor.u32 s28, s26;
	s30 =	spop (v2sf);
	(v2sf) =	vpush v1, $0x9  }
0x43: {  	s25 =	sshrl.u32 s25, $0x3;
	s31 =	spop (v2sf);
	(v2sf) =	vpush v0, $0x9  }
0x44: {  	s29 =	sadd.s32 $0xA80, s24;
	s25 =	sadd.s32 s3, s25  }
0x45: {  	[tilespmem:s29], [sflag:$0x1] =	stream.linear.gather [hbm4b:s25+s2], $0x80, $0x38;
	[tilespmem:$0x10800] =	vst v63  }
0x46: {  	s25 =	sor.u32 s31, s30;
	s29 =	spop (v2sf);
	(v2sf) =	vpush v1, $0xA  }
0x47: {  	s25 =	sshrl.u32 s25, $0x3;
	s30 =	spop (v2sf);
	(v2sf) =	vpush v0, $0xA  }
0x48: {  	s28 =	sadd.s32 $0xB00, s24;
	s25 =	sadd.s32 s3, s25  }
0x49: {  	[tilespmem:s28], [sflag:$0x1] =	stream.linear.gather [hbm4b:s25+s2], $0x80, $0x38;
	[tilespmem:$0x10800] =	vst v63  }
0x4a: {  	s26 =	spop (v2sf);
	(v2sf) =	vpush v1, $0xB  }
0x4b: {  	s28 =	spop (v2sf);
	(v2sf) =	vpush v0, $0xB;
	_ =	sdelay $0x1  }
0x4c: {  	s25 =	sor.u32 s30, s29  }
0x4d: {  	s25 =	sshrl.u32 s25, $0x3  }
0x4e: {  	s31 =	sadd.s32 $0xB80, s24;
	s25 =	sadd.s32 s3, s25  }
0x4f: {  	[tilespmem:s31], [sflag:$0x1] =	stream.linear.gather [hbm4b:s25+s2], $0x80, $0x38;
	[tilespmem:$0x10800] =	vst v63  }
0x50: {  	s25 =	sor.u32 s28, s26;
	s30 =	spop (v2sf);
	(v2sf) =	vpush v1, $0xC  }
0x51: {  	s25 =	sshrl.u32 s25, $0x3;
	s31 =	spop (v2sf);
	(v2sf) =	vpush v0, $0xC  }
0x52: {  	s29 =	sadd.s32 $0xC00, s24;
	s25 =	sadd.s32 s3, s25  }
0x53: {  	[tilespmem:s29], [sflag:$0x1] =	stream.linear.gather [hbm4b:s25+s2], $0x80, $0x38;
	[tilespmem:$0x10800] =	vst v63  }
0x54: {  	s25 =	sor.u32 s31, s30;
	s29 =	spop (v2sf);
	(v2sf) =	vpush v1, $0xD  }
0x55: {  	s25 =	sshrl.u32 s25, $0x3;
	s30 =	spop (v2sf);
	(v2sf) =	vpush v0, $0xD  }
0x56: {  	s28 =	sadd.s32 $0xC80, s24;
	s25 =	sadd.s32 s3, s25  }
0x57: {  	[tilespmem:s28], [sflag:$0x1] =	stream.linear.gather [hbm4b:s25+s2], $0x80, $0x38;
	[tilespmem:$0x10800] =	vst v63  }
0x58: {  	s26 =	spop (v2sf);
	(v2sf) =	vpush v1, $0xE  }
0x59: {  	s28 =	spop (v2sf);
	(v2sf) =	vpush v0, $0xE  }
0x5a: {  	s25 =	sor.u32 s30, s29  }
0x5b: {  	s25 =	sshrl.u32 s25, $0x3  }
0x5c: {  	s31 =	sadd.s32 $0xD00, s24;
	s25 =	sadd.s32 s3, s25  }
0x5d: {  	[tilespmem:s31], [sflag:$0x1] =	stream.linear.gather [hbm4b:s25+s2], $0x80, $0x38;
	[tilespmem:$0x10800] =	vst v63  }
0x5e: {  	s25 =	sor.u32 s28, s26  }
0x5f: {  	s25 =	sshrl.u32 s25, $0x3;
	s30 =	spop (v2sf);
	(v2sf) =	vpush v1, $0xF  }
0x60: {  	s29 =	sadd.s32 $0xD80, s24;
	s25 =	sadd.s32 s3, s25;
	s31 =	spop (v2sf);
	(v2sf) =	vpush v0, $0xF  }
0x61: {  	[tilespmem:s29], [sflag:$0x1] =	stream.linear.gather [hbm4b:s25+s2], $0x80, $0x38;
	[tilespmem:$0x10800] =	vst v63  }
0x62: {  	s25 =	sor.u32 s31, s30  }
0x63: {  	s29 =	spop (v2sf);
	s25 =	sshrl.u32 s25, $0x3  }
0x64: {  	s28 =	sadd.s32 $0xE00, s24;
	s30 =	spop (v2sf);
	s25 =	sadd.s32 s3, s25  }
0x65: {  	[tilespmem:s28], [sflag:$0x1] =	stream.linear.gather [hbm4b:s25+s2], $0x80, $0x38;
	[tilespmem:$0x10800] =	vst v63  }
0x66: {  	s25 =	sor.u32 s30, s29  }
0x67: {  	s26 =	spop (v2sf);
	s25 =	sshrl.u32 s25, $0x3  }
0x68: {  	s31 =	sadd.s32 $0xE80, s24;
	s28 =	spop (v2sf);
	s25 =	sadd.s32 s3, s25  }
0x69: {  	[tilespmem:s31], [sflag:$0x1] =	stream.linear.gather [hbm4b:s25+s2], $0x80, $0x38;
	[tilespmem:$0x10800] =	vst v63  }
0x6a: {  	s25 =	sor.u32 s28, s26  }
0x6b: {  	s25 =	sshrl.u32 s25, $0x3  }
0x6c: {  	s29 =	sadd.s32 $0xF00, s24;
	s25 =	sadd.s32 s3, s25  }
0x6d: {  	[tilespmem:s29], [sflag:$0x1] =	stream.linear.gather [hbm4b:s25+s2], $0x80, $0x38;
	[tilespmem:$0x10800] =	vst v63  }
0x6e: {  	p0 =	sne.s32 s23, $0x3E000;
	s30 =	spop (v2sf)  }
.Ltmp0:
0x6f: {  	s31 =	spop (v2sf);
	(pc) =	sbr.rel @p0 .LBB2_2-.Ltmp0, $4  }
0x70: {  	s25 =	sor.u32 s31, s30  }
0x71: {  	s22 =	sadd.s32 $0x10, s22;
	s25 =	sshrl.u32 s25, $0x3  }
0x72: {  	s23 =	sadd.s32 $0x2000, s23;
	s24 =	sadd.s32 $0xF80, s24;
	s25 =	sadd.s32 s3, s25  }
0x73: {  	[tilespmem:s24], [sflag:$0x1] =	stream.linear.gather [hbm4b:s25+s2], $0x80, $0x38;
	[tilespmem:$0x10800] =	vst v63  }
0x74: {  	_ =	swait.ge [sflag:s19], $0x10000  }
0x75: {  	[sflag:s19] =	ssyncset.done $0x0  }
0x76: {  	s22 =	simm.s32 $0x0;
	[sflag:s19] =	ssyncadd.s32 $0xFFFF0000  }
0x77: {  	[hbm4b:s9+s22] =	stream.linear.scatter [tilespmem:s20], [sflag:$0x2], $0x10000, $0x38;
	[tilespmem:$0x10800] =	vst v63  }
0x78: {  	_ =	swait.ge [sflag:s15], $0x10000  }
0x79: {  	[sflag:s15] =	ssyncset.done $0x0  }
0x7a: {  	s23 =	simm.s32 $0x200;
	[sflag:s15] =	ssyncadd.s32 $0xFFFF0000  }
.LBB2_4:
0x7b: {  	v0 =	vld [tilespmem:s23+$0x0];
	_ =	sdelay $0x4  }
0x7c: {  	v1 =	vshrl.u32 v0, $0x3  }
0x7d: {  	v0 =	vand.u32 $0x7, v0;
	v1 =	vshll.u32 v1, $0xA  }
0x7e: {  	v0 =	vshll.u32 v0, $0x7;
	(v2sf) =	vpush v1, $0x0  }
0x7f: {  	(v2sf) =	vpush v0, $0x0;
	_ =	sdelay $0x2  }
0x80: {  	(v2sf) =	vpush v1, $0x1  }
0x81: {  	(v2sf) =	vpush v0, $0x1;
	_ =	sdelay $0x2  }
0x82: {  	(v2sf) =	vpush v1, $0x2  }
0x83: {  	(v2sf) =	vpush v0, $0x2;
	_ =	sdelay $0x5  }
0x84: {  	s24 =	spop (v2sf);
	(v2sf) =	vpush v1, $0x3  }
0x85: {  	s25 =	spop (v2sf);
	(v2sf) =	vpush v0, $0x3;
	_ =	sdelay $0x2  }
0x86: {  	s25 =	sor.u32 s25, s24;
	s29 =	spop (v2sf);
	(v2sf) =	vpush v1, $0x4  }
0x87: {  	s24 =	sshra.s32 s22, $0x2;
	s25 =	sshrl.u32 s25, $0x3;
	s30 =	spop (v2sf);
	(v2sf) =	vpush v0, $0x4  }
0x88: {  	s26 =	sadd.s32 $0x800, s24;
	s25 =	sadd.s32 s4, s25  }
0x89: {  	[tilespmem:s26], [sflag:$0x1] =	stream.linear.gather [hbm4b:s25+s2], $0x80, $0x38;
	[tilespmem:$0x10800] =	vst v63  }
0x8a: {  	s26 =	spop (v2sf);
	(v2sf) =	vpush v1, $0x5  }
0x8b: {  	s28 =	spop (v2sf);
	(v2sf) =	vpush v0, $0x5;
	_ =	sdelay $0x1  }
0x8c: {  	s25 =	sor.u32 s30, s29  }
0x8d: {  	s25 =	sshrl.u32 s25, $0x3  }
0x8e: {  	s31 =	sadd.s32 $0x880, s24;
	s25 =	sadd.s32 s4, s25  }
0x8f: {  	[tilespmem:s31], [sflag:$0x1] =	stream.linear.gather [hbm4b:s25+s2], $0x80, $0x38;
	[tilespmem:$0x10800] =	vst v63  }
0x90: {  	s25 =	sor.u32 s28, s26;
	s30 =	spop (v2sf);
	(v2sf) =	vpush v1, $0x6  }
0x91: {  	s25 =	sshrl.u32 s25, $0x3;
	s31 =	spop (v2sf);
	(v2sf) =	vpush v0, $0x6  }
0x92: {  	s29 =	sadd.s32 $0x900, s24;
	s25 =	sadd.s32 s4, s25  }
0x93: {  	[tilespmem:s29], [sflag:$0x1] =	stream.linear.gather [hbm4b:s25+s2], $0x80, $0x38;
	[tilespmem:$0x10800] =	vst v63  }
0x94: {  	s25 =	sor.u32 s31, s30;
	s29 =	spop (v2sf);
	(v2sf) =	vpush v1, $0x7  }
0x95: {  	s25 =	sshrl.u32 s25, $0x3;
	s30 =	spop (v2sf);
	(v2sf) =	vpush v0, $0x7  }
0x96: {  	s28 =	sadd.s32 $0x980, s24;
	s25 =	sadd.s32 s4, s25  }
0x97: {  	[tilespmem:s28], [sflag:$0x1] =	stream.linear.gather [hbm4b:s25+s2], $0x80, $0x38;
	[tilespmem:$0x10800] =	vst v63  }
0x98: {  	s26 =	spop (v2sf);
	(v2sf) =	vpush v1, $0x8  }
0x99: {  	s28 =	spop (v2sf);
	(v2sf) =	vpush v0, $0x8;
	_ =	sdelay $0x1  }
0x9a: {  	s25 =	sor.u32 s30, s29  }
0x9b: {  	s25 =	sshrl.u32 s25, $0x3  }
0x9c: {  	s31 =	sadd.s32 $0xA00, s24;
	s25 =	sadd.s32 s4, s25  }
0x9d: {  	[tilespmem:s31], [sflag:$0x1] =	stream.linear.gather [hbm4b:s25+s2], $0x80, $0x38;
	[tilespmem:$0x10800] =	vst v63  }
0x9e: {  	s25 =	sor.u32 s28, s26;
	s30 =	spop (v2sf);
	(v2sf) =	vpush v1, $0x9  }
0x9f: {  	s25 =	sshrl.u32 s25, $0x3;
	s31 =	spop (v2sf);
	(v2sf) =	vpush v0, $0x9  }
0xa0: {  	s29 =	sadd.s32 $0xA80, s24;
	s25 =	sadd.s32 s4, s25  }
0xa1: {  	[tilespmem:s29], [sflag:$0x1] =	stream.linear.gather [hbm4b:s25+s2], $0x80, $0x38;
	[tilespmem:$0x10800] =	vst v63  }
0xa2: {  	s25 =	sor.u32 s31, s30;
	s29 =	spop (v2sf);
	(v2sf) =	vpush v1, $0xA  }
0xa3: {  	s25 =	sshrl.u32 s25, $0x3;
	s30 =	spop (v2sf);
	(v2sf) =	vpush v0, $0xA  }
0xa4: {  	s28 =	sadd.s32 $0xB00, s24;
	s25 =	sadd.s32 s4, s25  }
0xa5: {  	[tilespmem:s28], [sflag:$0x1] =	stream.linear.gather [hbm4b:s25+s2], $0x80, $0x38;
	[tilespmem:$0x10800] =	vst v63  }
0xa6: {  	s26 =	spop (v2sf);
	(v2sf) =	vpush v1, $0xB  }
0xa7: {  	s28 =	spop (v2sf);
	(v2sf) =	vpush v0, $0xB;
	_ =	sdelay $0x1  }
0xa8: {  	s25 =	sor.u32 s30, s29  }
0xa9: {  	s25 =	sshrl.u32 s25, $0x3  }
0xaa: {  	s31 =	sadd.s32 $0xB80, s24;
	s25 =	sadd.s32 s4, s25  }
0xab: {  	[tilespmem:s31], [sflag:$0x1] =	stream.linear.gather [hbm4b:s25+s2], $0x80, $0x38;
	[tilespmem:$0x10800] =	vst v63  }
0xac: {  	s25 =	sor.u32 s28, s26;
	s30 =	spop (v2sf);
	(v2sf) =	vpush v1, $0xC  }
0xad: {  	s25 =	sshrl.u32 s25, $0x3;
	s31 =	spop (v2sf);
	(v2sf) =	vpush v0, $0xC  }
0xae: {  	s29 =	sadd.s32 $0xC00, s24;
	s25 =	sadd.s32 s4, s25  }
0xaf: {  	[tilespmem:s29], [sflag:$0x1] =	stream.linear.gather [hbm4b:s25+s2], $0x80, $0x38;
	[tilespmem:$0x10800] =	vst v63  }
0xb0: {  	s25 =	sor.u32 s31, s30;
	s29 =	spop (v2sf);
	(v2sf) =	vpush v1, $0xD  }
0xb1: {  	s25 =	sshrl.u32 s25, $0x3;
	s30 =	spop (v2sf);
	(v2sf) =	vpush v0, $0xD  }
0xb2: {  	s28 =	sadd.s32 $0xC80, s24;
	s25 =	sadd.s32 s4, s25  }
0xb3: {  	[tilespmem:s28], [sflag:$0x1] =	stream.linear.gather [hbm4b:s25+s2], $0x80, $0x38;
	[tilespmem:$0x10800] =	vst v63  }
0xb4: {  	s26 =	spop (v2sf);
	(v2sf) =	vpush v1, $0xE  }
0xb5: {  	s28 =	spop (v2sf);
	(v2sf) =	vpush v0, $0xE  }
0xb6: {  	s25 =	sor.u32 s30, s29  }
0xb7: {  	s25 =	sshrl.u32 s25, $0x3  }
0xb8: {  	s31 =	sadd.s32 $0xD00, s24;
	s25 =	sadd.s32 s4, s25  }
0xb9: {  	[tilespmem:s31], [sflag:$0x1] =	stream.linear.gather [hbm4b:s25+s2], $0x80, $0x38;
	[tilespmem:$0x10800] =	vst v63  }
0xba: {  	s25 =	sor.u32 s28, s26  }
0xbb: {  	s25 =	sshrl.u32 s25, $0x3;
	s30 =	spop (v2sf);
	(v2sf) =	vpush v1, $0xF  }
0xbc: {  	s29 =	sadd.s32 $0xD80, s24;
	s25 =	sadd.s32 s4, s25;
	s31 =	spop (v2sf);
	(v2sf) =	vpush v0, $0xF  }
0xbd: {  	[tilespmem:s29], [sflag:$0x1] =	stream.linear.gather [hbm4b:s25+s2], $0x80, $0x38;
	[tilespmem:$0x10800] =	vst v63  }
0xbe: {  	s25 =	sor.u32 s31, s30  }
0xbf: {  	s29 =	spop (v2sf);
	s25 =	sshrl.u32 s25, $0x3  }
0xc0: {  	s28 =	sadd.s32 $0xE00, s24;
	s30 =	spop (v2sf);
	s25 =	sadd.s32 s4, s25  }
0xc1: {  	[tilespmem:s28], [sflag:$0x1] =	stream.linear.gather [hbm4b:s25+s2], $0x80, $0x38;
	[tilespmem:$0x10800] =	vst v63  }
0xc2: {  	s25 =	sor.u32 s30, s29  }
0xc3: {  	s26 =	spop (v2sf);
	s25 =	sshrl.u32 s25, $0x3  }
0xc4: {  	s31 =	sadd.s32 $0xE80, s24;
	s28 =	spop (v2sf);
	s25 =	sadd.s32 s4, s25  }
0xc5: {  	[tilespmem:s31], [sflag:$0x1] =	stream.linear.gather [hbm4b:s25+s2], $0x80, $0x38;
	[tilespmem:$0x10800] =	vst v63  }
0xc6: {  	s25 =	sor.u32 s28, s26  }
0xc7: {  	s25 =	sshrl.u32 s25, $0x3  }
0xc8: {  	s29 =	sadd.s32 $0xF00, s24;
	s25 =	sadd.s32 s4, s25  }
0xc9: {  	[tilespmem:s29], [sflag:$0x1] =	stream.linear.gather [hbm4b:s25+s2], $0x80, $0x38;
	[tilespmem:$0x10800] =	vst v63  }
0xca: {  	p0 =	sne.s32 s22, $0x3E000;
	s30 =	spop (v2sf)  }
.Ltmp1:
0xcb: {  	s31 =	spop (v2sf);
	(pc) =	sbr.rel @p0 .LBB2_4-.Ltmp1, $4  }
0xcc: {  	s25 =	sor.u32 s31, s30  }
0xcd: {  	s23 =	sadd.s32 $0x10, s23;
	s25 =	sshrl.u32 s25, $0x3  }
0xce: {  	s22 =	sadd.s32 $0x2000, s22;
	s24 =	sadd.s32 $0xF80, s24;
	s25 =	sadd.s32 s4, s25  }
0xcf: {  	[tilespmem:s24], [sflag:$0x1] =	stream.linear.gather [hbm4b:s25+s2], $0x80, $0x38;
	[tilespmem:$0x10800] =	vst v63  }
0xd0: {  	_ =	swait.ge [sflag:s19], $0x10000  }
0xd1: {  	[sflag:s19] =	ssyncset.done $0x0  }
0xd2: {  	s22 =	simm.s32 $0x0;
	[sflag:s19] =	ssyncadd.s32 $0xFFFF0000  }
0xd3: {  	[hbm4b:s11+s22] =	stream.linear.scatter [tilespmem:s20], [sflag:$0x2], $0x10000, $0x38;
	[tilespmem:$0x10800] =	vst v63  }
0xd4: {  	_ =	swait.ge [sflag:s15], $0x10000  }
0xd5: {  	[sflag:s15] =	ssyncset.done $0x0  }
0xd6: {  	s23 =	simm.s32 $0x400;
	[sflag:s15] =	ssyncadd.s32 $0xFFFF0000  }
.LBB2_6:
0xd7: {  	v0 =	vld [tilespmem:s23+$0x0];
	_ =	sdelay $0x4  }
0xd8: {  	v1 =	vshrl.u32 v0, $0x3  }
0xd9: {  	v0 =	vand.u32 $0x7, v0;
	v1 =	vshll.u32 v1, $0xA  }
0xda: {  	v0 =	vshll.u32 v0, $0x7;
	(v2sf) =	vpush v1, $0x0  }
0xdb: {  	(v2sf) =	vpush v0, $0x0;
	_ =	sdelay $0x2  }
0xdc: {  	(v2sf) =	vpush v1, $0x1  }
0xdd: {  	(v2sf) =	vpush v0, $0x1;
	_ =	sdelay $0x2  }
0xde: {  	(v2sf) =	vpush v1, $0x2  }
0xdf: {  	(v2sf) =	vpush v0, $0x2;
	_ =	sdelay $0x5  }
0xe0: {  	s24 =	spop (v2sf);
	(v2sf) =	vpush v1, $0x3  }
0xe1: {  	s25 =	spop (v2sf);
	(v2sf) =	vpush v0, $0x3;
	_ =	sdelay $0x2  }
0xe2: {  	s25 =	sor.u32 s25, s24;
	s29 =	spop (v2sf);
	(v2sf) =	vpush v1, $0x4  }
0xe3: {  	s24 =	sshra.s32 s22, $0x2;
	s25 =	sshrl.u32 s25, $0x3;
	s30 =	spop (v2sf);
	(v2sf) =	vpush v0, $0x4  }
0xe4: {  	s26 =	sadd.s32 $0x800, s24;
	s25 =	sadd.s32 s5, s25  }
0xe5: {  	[tilespmem:s26], [sflag:$0x1] =	stream.linear.gather [hbm4b:s25+s2], $0x80, $0x38;
	[tilespmem:$0x10800] =	vst v63  }
0xe6: {  	s26 =	spop (v2sf);
	(v2sf) =	vpush v1, $0x5  }
0xe7: {  	s28 =	spop (v2sf);
	(v2sf) =	vpush v0, $0x5;
	_ =	sdelay $0x1  }
0xe8: {  	s25 =	sor.u32 s30, s29  }
0xe9: {  	s25 =	sshrl.u32 s25, $0x3  }
0xea: {  	s31 =	sadd.s32 $0x880, s24;
	s25 =	sadd.s32 s5, s25  }
0xeb: {  	[tilespmem:s31], [sflag:$0x1] =	stream.linear.gather [hbm4b:s25+s2], $0x80, $0x38;
	[tilespmem:$0x10800] =	vst v63  }
0xec: {  	s25 =	sor.u32 s28, s26;
	s30 =	spop (v2sf);
	(v2sf) =	vpush v1, $0x6  }
0xed: {  	s25 =	sshrl.u32 s25, $0x3;
	s31 =	spop (v2sf);
	(v2sf) =	vpush v0, $0x6  }
0xee: {  	s29 =	sadd.s32 $0x900, s24;
	s25 =	sadd.s32 s5, s25  }
0xef: {  	[tilespmem:s29], [sflag:$0x1] =	stream.linear.gather [hbm4b:s25+s2], $0x80, $0x38;
	[tilespmem:$0x10800] =	vst v63  }
0xf0: {  	s25 =	sor.u32 s31, s30;
	s29 =	spop (v2sf);
	(v2sf) =	vpush v1, $0x7  }
0xf1: {  	s25 =	sshrl.u32 s25, $0x3;
	s30 =	spop (v2sf);
	(v2sf) =	vpush v0, $0x7  }
0xf2: {  	s28 =	sadd.s32 $0x980, s24;
	s25 =	sadd.s32 s5, s25  }
0xf3: {  	[tilespmem:s28], [sflag:$0x1] =	stream.linear.gather [hbm4b:s25+s2], $0x80, $0x38;
	[tilespmem:$0x10800] =	vst v63  }
0xf4: {  	s26 =	spop (v2sf);
	(v2sf) =	vpush v1, $0x8  }
0xf5: {  	s28 =	spop (v2sf);
	(v2sf) =	vpush v0, $0x8;
	_ =	sdelay $0x1  }
0xf6: {  	s25 =	sor.u32 s30, s29  }
0xf7: {  	s25 =	sshrl.u32 s25, $0x3  }
0xf8: {  	s31 =	sadd.s32 $0xA00, s24;
	s25 =	sadd.s32 s5, s25  }
0xf9: {  	[tilespmem:s31], [sflag:$0x1] =	stream.linear.gather [hbm4b:s25+s2], $0x80, $0x38;
	[tilespmem:$0x10800] =	vst v63  }
0xfa: {  	s25 =	sor.u32 s28, s26;
	s30 =	spop (v2sf);
	(v2sf) =	vpush v1, $0x9  }
0xfb: {  	s25 =	sshrl.u32 s25, $0x3;
	s31 =	spop (v2sf);
	(v2sf) =	vpush v0, $0x9  }
0xfc: {  	s29 =	sadd.s32 $0xA80, s24;
	s25 =	sadd.s32 s5, s25  }
0xfd: {  	[tilespmem:s29], [sflag:$0x1] =	stream.linear.gather [hbm4b:s25+s2], $0x80, $0x38;
	[tilespmem:$0x10800] =	vst v63  }
0xfe: {  	s25 =	sor.u32 s31, s30;
	s29 =	spop (v2sf);
	(v2sf) =	vpush v1, $0xA  }
0xff: {  	s25 =	sshrl.u32 s25, $0x3;
	s30 =	spop (v2sf);
	(v2sf) =	vpush v0, $0xA  }
0x100: {  	s28 =	sadd.s32 $0xB00, s24;
	s25 =	sadd.s32 s5, s25  }
0x101: {  	[tilespmem:s28], [sflag:$0x1] =	stream.linear.gather [hbm4b:s25+s2], $0x80, $0x38;
	[tilespmem:$0x10800] =	vst v63  }
0x102: {  	s26 =	spop (v2sf);
	(v2sf) =	vpush v1, $0xB  }
0x103: {  	s28 =	spop (v2sf);
	(v2sf) =	vpush v0, $0xB;
	_ =	sdelay $0x1  }
0x104: {  	s25 =	sor.u32 s30, s29  }
0x105: {  	s25 =	sshrl.u32 s25, $0x3  }
0x106: {  	s31 =	sadd.s32 $0xB80, s24;
	s25 =	sadd.s32 s5, s25  }
0x107: {  	[tilespmem:s31], [sflag:$0x1] =	stream.linear.gather [hbm4b:s25+s2], $0x80, $0x38;
	[tilespmem:$0x10800] =	vst v63  }
0x108: {  	s25 =	sor.u32 s28, s26;
	s30 =	spop (v2sf);
	(v2sf) =	vpush v1, $0xC  }
0x109: {  	s25 =	sshrl.u32 s25, $0x3;
	s31 =	spop (v2sf);
	(v2sf) =	vpush v0, $0xC  }
0x10a: {  	s29 =	sadd.s32 $0xC00, s24;
	s25 =	sadd.s32 s5, s25  }
0x10b: {  	[tilespmem:s29], [sflag:$0x1] =	stream.linear.gather [hbm4b:s25+s2], $0x80, $0x38;
	[tilespmem:$0x10800] =	vst v63  }
0x10c: {  	s25 =	sor.u32 s31, s30;
	s29 =	spop (v2sf);
	(v2sf) =	vpush v1, $0xD  }
0x10d: {  	s25 =	sshrl.u32 s25, $0x3;
	s30 =	spop (v2sf);
	(v2sf) =	vpush v0, $0xD  }
0x10e: {  	s28 =	sadd.s32 $0xC80, s24;
	s25 =	sadd.s32 s5, s25  }
0x10f: {  	[tilespmem:s28], [sflag:$0x1] =	stream.linear.gather [hbm4b:s25+s2], $0x80, $0x38;
	[tilespmem:$0x10800] =	vst v63  }
0x110: {  	s26 =	spop (v2sf);
	(v2sf) =	vpush v1, $0xE  }
0x111: {  	s28 =	spop (v2sf);
	(v2sf) =	vpush v0, $0xE  }
0x112: {  	s25 =	sor.u32 s30, s29  }
0x113: {  	s25 =	sshrl.u32 s25, $0x3  }
0x114: {  	s31 =	sadd.s32 $0xD00, s24;
	s25 =	sadd.s32 s5, s25  }
0x115: {  	[tilespmem:s31], [sflag:$0x1] =	stream.linear.gather [hbm4b:s25+s2], $0x80, $0x38;
	[tilespmem:$0x10800] =	vst v63  }
0x116: {  	s25 =	sor.u32 s28, s26  }
0x117: {  	s25 =	sshrl.u32 s25, $0x3;
	s30 =	spop (v2sf);
	(v2sf) =	vpush v1, $0xF  }
0x118: {  	s29 =	sadd.s32 $0xD80, s24;
	s25 =	sadd.s32 s5, s25;
	s31 =	spop (v2sf);
	(v2sf) =	vpush v0, $0xF  }
0x119: {  	[tilespmem:s29], [sflag:$0x1] =	stream.linear.gather [hbm4b:s25+s2], $0x80, $0x38;
	[tilespmem:$0x10800] =	vst v63  }
0x11a: {  	s25 =	sor.u32 s31, s30  }
0x11b: {  	s29 =	spop (v2sf);
	s25 =	sshrl.u32 s25, $0x3  }
0x11c: {  	s28 =	sadd.s32 $0xE00, s24;
	s30 =	spop (v2sf);
	s25 =	sadd.s32 s5, s25  }
0x11d: {  	[tilespmem:s28], [sflag:$0x1] =	stream.linear.gather [hbm4b:s25+s2], $0x80, $0x38;
	[tilespmem:$0x10800] =	vst v63  }
0x11e: {  	s25 =	sor.u32 s30, s29  }
0x11f: {  	s26 =	spop (v2sf);
	s25 =	sshrl.u32 s25, $0x3  }
0x120: {  	s31 =	sadd.s32 $0xE80, s24;
	s28 =	spop (v2sf);
	s25 =	sadd.s32 s5, s25  }
0x121: {  	[tilespmem:s31], [sflag:$0x1] =	stream.linear.gather [hbm4b:s25+s2], $0x80, $0x38;
	[tilespmem:$0x10800] =	vst v63  }
0x122: {  	s25 =	sor.u32 s28, s26  }
0x123: {  	s25 =	sshrl.u32 s25, $0x3  }
0x124: {  	s29 =	sadd.s32 $0xF00, s24;
	s25 =	sadd.s32 s5, s25  }
0x125: {  	[tilespmem:s29], [sflag:$0x1] =	stream.linear.gather [hbm4b:s25+s2], $0x80, $0x38;
	[tilespmem:$0x10800] =	vst v63  }
0x126: {  	p0 =	sne.s32 s22, $0x3E000;
	s30 =	spop (v2sf)  }
.Ltmp2:
0x127: {  	s31 =	spop (v2sf);
	(pc) =	sbr.rel @p0 .LBB2_6-.Ltmp2, $4  }
0x128: {  	s25 =	sor.u32 s31, s30  }
0x129: {  	s23 =	sadd.s32 $0x10, s23;
	s25 =	sshrl.u32 s25, $0x3  }
0x12a: {  	s22 =	sadd.s32 $0x2000, s22;
	s24 =	sadd.s32 $0xF80, s24;
	s25 =	sadd.s32 s5, s25  }
0x12b: {  	[tilespmem:s24], [sflag:$0x1] =	stream.linear.gather [hbm4b:s25+s2], $0x80, $0x38;
	[tilespmem:$0x10800] =	vst v63  }
0x12c: {  	_ =	swait.ge [sflag:s19], $0x10000  }
0x12d: {  	[sflag:s19] =	ssyncset.done $0x0  }
0x12e: {  	s22 =	simm.s32 $0x0;
	[sflag:s19] =	ssyncadd.s32 $0xFFFF0000  }
0x12f: {  	[hbm4b:s12+s22] =	stream.linear.scatter [tilespmem:s20], [sflag:$0x2], $0x10000, $0x38;
	[tilespmem:$0x10800] =	vst v63  }
0x130: {  	_ =	swait.ge [sflag:s15], $0x10000  }
0x131: {  	[sflag:s15] =	ssyncset.done $0x0  }
0x132: {  	s23 =	simm.s32 $0x600;
	[sflag:s15] =	ssyncadd.s32 $0xFFFF0000  }
.LBB2_8:
0x133: {  	v0 =	vld [tilespmem:s23+$0x0];
	_ =	sdelay $0x4  }
0x134: {  	v1 =	vshrl.u32 v0, $0x3  }
0x135: {  	v0 =	vand.u32 $0x7, v0;
	v1 =	vshll.u32 v1, $0xA  }
0x136: {  	v0 =	vshll.u32 v0, $0x7;
	(v2sf) =	vpush v1, $0x0  }
0x137: {  	(v2sf) =	vpush v0, $0x0;
	_ =	sdelay $0x2  }
0x138: {  	(v2sf) =	vpush v1, $0x1  }
0x139: {  	(v2sf) =	vpush v0, $0x1;
	_ =	sdelay $0x2  }
0x13a: {  	(v2sf) =	vpush v1, $0x2  }
0x13b: {  	(v2sf) =	vpush v0, $0x2;
	_ =	sdelay $0x5  }
0x13c: {  	s24 =	spop (v2sf);
	(v2sf) =	vpush v1, $0x3  }
0x13d: {  	s25 =	spop (v2sf);
	(v2sf) =	vpush v0, $0x3;
	_ =	sdelay $0x2  }
0x13e: {  	s25 =	sor.u32 s25, s24;
	s29 =	spop (v2sf);
	(v2sf) =	vpush v1, $0x4  }
0x13f: {  	s24 =	sshra.s32 s22, $0x2;
	s25 =	sshrl.u32 s25, $0x3;
	s30 =	spop (v2sf);
	(v2sf) =	vpush v0, $0x4  }
0x140: {  	s26 =	sadd.s32 $0x800, s24;
	s25 =	sadd.s32 s5, s25  }
0x141: {  	[tilespmem:s26], [sflag:$0x1] =	stream.linear.gather [hbm4b:s25+s2], $0x80, $0x38;
	[tilespmem:$0x10800] =	vst v63  }
0x142: {  	s26 =	spop (v2sf);
	(v2sf) =	vpush v1, $0x5  }
0x143: {  	s28 =	spop (v2sf);
	(v2sf) =	vpush v0, $0x5;
	_ =	sdelay $0x1  }
0x144: {  	s25 =	sor.u32 s30, s29  }
0x145: {  	s25 =	sshrl.u32 s25, $0x3  }
0x146: {  	s31 =	sadd.s32 $0x880, s24;
	s25 =	sadd.s32 s5, s25  }
0x147: {  	[tilespmem:s31], [sflag:$0x1] =	stream.linear.gather [hbm4b:s25+s2], $0x80, $0x38;
	[tilespmem:$0x10800] =	vst v63  }
0x148: {  	s25 =	sor.u32 s28, s26;
	s30 =	spop (v2sf);
	(v2sf) =	vpush v1, $0x6  }
0x149: {  	s25 =	sshrl.u32 s25, $0x3;
	s31 =	spop (v2sf);
	(v2sf) =	vpush v0, $0x6  }
0x14a: {  	s29 =	sadd.s32 $0x900, s24;
	s25 =	sadd.s32 s5, s25  }
0x14b: {  	[tilespmem:s29], [sflag:$0x1] =	stream.linear.gather [hbm4b:s25+s2], $0x80, $0x38;
	[tilespmem:$0x10800] =	vst v63  }
0x14c: {  	s25 =	sor.u32 s31, s30;
	s29 =	spop (v2sf);
	(v2sf) =	vpush v1, $0x7  }
0x14d: {  	s25 =	sshrl.u32 s25, $0x3;
	s30 =	spop (v2sf);
	(v2sf) =	vpush v0, $0x7  }
0x14e: {  	s28 =	sadd.s32 $0x980, s24;
	s25 =	sadd.s32 s5, s25  }
0x14f: {  	[tilespmem:s28], [sflag:$0x1] =	stream.linear.gather [hbm4b:s25+s2], $0x80, $0x38;
	[tilespmem:$0x10800] =	vst v63  }
0x150: {  	s26 =	spop (v2sf);
	(v2sf) =	vpush v1, $0x8  }
0x151: {  	s28 =	spop (v2sf);
	(v2sf) =	vpush v0, $0x8;
	_ =	sdelay $0x1  }
0x152: {  	s25 =	sor.u32 s30, s29  }
0x153: {  	s25 =	sshrl.u32 s25, $0x3  }
0x154: {  	s31 =	sadd.s32 $0xA00, s24;
	s25 =	sadd.s32 s5, s25  }
0x155: {  	[tilespmem:s31], [sflag:$0x1] =	stream.linear.gather [hbm4b:s25+s2], $0x80, $0x38;
	[tilespmem:$0x10800] =	vst v63  }
0x156: {  	s25 =	sor.u32 s28, s26;
	s30 =	spop (v2sf);
	(v2sf) =	vpush v1, $0x9  }
0x157: {  	s25 =	sshrl.u32 s25, $0x3;
	s31 =	spop (v2sf);
	(v2sf) =	vpush v0, $0x9  }
0x158: {  	s29 =	sadd.s32 $0xA80, s24;
	s25 =	sadd.s32 s5, s25  }
0x159: {  	[tilespmem:s29], [sflag:$0x1] =	stream.linear.gather [hbm4b:s25+s2], $0x80, $0x38;
	[tilespmem:$0x10800] =	vst v63  }
0x15a: {  	s25 =	sor.u32 s31, s30;
	s29 =	spop (v2sf);
	(v2sf) =	vpush v1, $0xA  }
0x15b: {  	s25 =	sshrl.u32 s25, $0x3;
	s30 =	spop (v2sf);
	(v2sf) =	vpush v0, $0xA  }
0x15c: {  	s28 =	sadd.s32 $0xB00, s24;
	s25 =	sadd.s32 s5, s25  }
0x15d: {  	[tilespmem:s28], [sflag:$0x1] =	stream.linear.gather [hbm4b:s25+s2], $0x80, $0x38;
	[tilespmem:$0x10800] =	vst v63  }
0x15e: {  	s26 =	spop (v2sf);
	(v2sf) =	vpush v1, $0xB  }
0x15f: {  	s28 =	spop (v2sf);
	(v2sf) =	vpush v0, $0xB;
	_ =	sdelay $0x1  }
0x160: {  	s25 =	sor.u32 s30, s29  }
0x161: {  	s25 =	sshrl.u32 s25, $0x3  }
0x162: {  	s31 =	sadd.s32 $0xB80, s24;
	s25 =	sadd.s32 s5, s25  }
0x163: {  	[tilespmem:s31], [sflag:$0x1] =	stream.linear.gather [hbm4b:s25+s2], $0x80, $0x38;
	[tilespmem:$0x10800] =	vst v63  }
0x164: {  	s25 =	sor.u32 s28, s26;
	s30 =	spop (v2sf);
	(v2sf) =	vpush v1, $0xC  }
0x165: {  	s25 =	sshrl.u32 s25, $0x3;
	s31 =	spop (v2sf);
	(v2sf) =	vpush v0, $0xC  }
0x166: {  	s29 =	sadd.s32 $0xC00, s24;
	s25 =	sadd.s32 s5, s25  }
0x167: {  	[tilespmem:s29], [sflag:$0x1] =	stream.linear.gather [hbm4b:s25+s2], $0x80, $0x38;
	[tilespmem:$0x10800] =	vst v63  }
0x168: {  	s25 =	sor.u32 s31, s30;
	s29 =	spop (v2sf);
	(v2sf) =	vpush v1, $0xD  }
0x169: {  	s25 =	sshrl.u32 s25, $0x3;
	s30 =	spop (v2sf);
	(v2sf) =	vpush v0, $0xD  }
0x16a: {  	s28 =	sadd.s32 $0xC80, s24;
	s25 =	sadd.s32 s5, s25  }
0x16b: {  	[tilespmem:s28], [sflag:$0x1] =	stream.linear.gather [hbm4b:s25+s2], $0x80, $0x38;
	[tilespmem:$0x10800] =	vst v63  }
0x16c: {  	s26 =	spop (v2sf);
	(v2sf) =	vpush v1, $0xE  }
0x16d: {  	s28 =	spop (v2sf);
	(v2sf) =	vpush v0, $0xE  }
0x16e: {  	s25 =	sor.u32 s30, s29  }
0x16f: {  	s25 =	sshrl.u32 s25, $0x3  }
0x170: {  	s31 =	sadd.s32 $0xD00, s24;
	s25 =	sadd.s32 s5, s25  }
0x171: {  	[tilespmem:s31], [sflag:$0x1] =	stream.linear.gather [hbm4b:s25+s2], $0x80, $0x38;
	[tilespmem:$0x10800] =	vst v63  }
0x172: {  	s25 =	sor.u32 s28, s26  }
0x173: {  	s25 =	sshrl.u32 s25, $0x3;
	s30 =	spop (v2sf);
	(v2sf) =	vpush v1, $0xF  }
0x174: {  	s29 =	sadd.s32 $0xD80, s24;
	s25 =	sadd.s32 s5, s25;
	s31 =	spop (v2sf);
	(v2sf) =	vpush v0, $0xF  }
0x175: {  	[tilespmem:s29], [sflag:$0x1] =	stream.linear.gather [hbm4b:s25+s2], $0x80, $0x38;
	[tilespmem:$0x10800] =	vst v63  }
0x176: {  	s25 =	sor.u32 s31, s30  }
0x177: {  	s29 =	spop (v2sf);
	s25 =	sshrl.u32 s25, $0x3  }
0x178: {  	s28 =	sadd.s32 $0xE00, s24;
	s30 =	spop (v2sf);
	s25 =	sadd.s32 s5, s25  }
0x179: {  	[tilespmem:s28], [sflag:$0x1] =	stream.linear.gather [hbm4b:s25+s2], $0x80, $0x38;
	[tilespmem:$0x10800] =	vst v63  }
0x17a: {  	s25 =	sor.u32 s30, s29  }
0x17b: {  	s26 =	spop (v2sf);
	s25 =	sshrl.u32 s25, $0x3  }
0x17c: {  	s31 =	sadd.s32 $0xE80, s24;
	s28 =	spop (v2sf);
	s25 =	sadd.s32 s5, s25  }
0x17d: {  	[tilespmem:s31], [sflag:$0x1] =	stream.linear.gather [hbm4b:s25+s2], $0x80, $0x38;
	[tilespmem:$0x10800] =	vst v63  }
0x17e: {  	s25 =	sor.u32 s28, s26  }
0x17f: {  	s25 =	sshrl.u32 s25, $0x3  }
0x180: {  	s29 =	sadd.s32 $0xF00, s24;
	s25 =	sadd.s32 s5, s25  }
0x181: {  	[tilespmem:s29], [sflag:$0x1] =	stream.linear.gather [hbm4b:s25+s2], $0x80, $0x38;
	[tilespmem:$0x10800] =	vst v63  }
0x182: {  	p0 =	sne.s32 s22, $0x3E000;
	s30 =	spop (v2sf)  }
.Ltmp3:
0x183: {  	s31 =	spop (v2sf);
	(pc) =	sbr.rel @p0 .LBB2_8-.Ltmp3, $4  }
0x184: {  	s25 =	sor.u32 s31, s30  }
0x185: {  	s23 =	sadd.s32 $0x10, s23;
	s25 =	sshrl.u32 s25, $0x3  }
0x186: {  	s22 =	sadd.s32 $0x2000, s22;
	s24 =	sadd.s32 $0xF80, s24;
	s25 =	sadd.s32 s5, s25  }
0x187: {  	[tilespmem:s24], [sflag:$0x1] =	stream.linear.gather [hbm4b:s25+s2], $0x80, $0x38;
	[tilespmem:$0x10800] =	vst v63  }
0x188: {  	_ =	swait.ge [sflag:s19], $0x10000;
	s21 =	sadd.s32 $0x1, s21  }
0x189: {  	[sflag:s19] =	ssyncset.done $0x0;
	p0 =	sne.s32 s21, s14  }
.Ltmp4:
0x18a: {  	[sflag:s19] =	ssyncadd.s32 $0xFFFF0000;
	(pc) =	sbr.rel @p0 .LBB2_1-.Ltmp4, $4  }
0x18b: {  	[hbm4b:s13+s2] =	stream.linear.scatter [tilespmem:s20], [sflag:$0x2], $0x10000, $0x38;
	[tilespmem:$0x10800] =	vst v63  }
0x18c: {  	_ =	swait.ge [sflag:s15], $0x10000  }
0x18d: {  	[sflag:s15] =	ssyncset.done $0x0  }
0x18e: {  	[sflag:s15] =	ssyncadd.s32 $0xFFFF0000  }
0x18f: {  	_ =	sfence.sel $0x180000  }
0x190: {  	[bflag:$0x0] =	sbarrier.arrive $0xFFFF  }
0x191: {  	p0 =	sne.s32 s1, $0x0;
	_ =	strace $0x90000047  }
0x192: {  	s0 =	sadd.s32 @!p0 $0x100000, s0;
	[bflag:$0x2] =	sbarrier.arrive $0xFFFF  }
0x193: {  	[sflag:s0] =	ssyncadd.tile.s32 @!p0 $0x1;
	_ =	shalt  }
.Lfunc_end2:
_tile_overlayer_lowered:
.L_overlay_start_2:
0x194: {  	(tag) =	ssettag $0x2  }
0x195: {  	s0 =	rddreg [dreg:$0x0];
	s2 =	stileid.u32  }
0x196: {  	s1 =	rddreg [dreg:$0x1];
	p0 =	sne.s32 s2, $0x0  }
0x197: {  	s3 =	rddreg [dreg:$0x2];
	[bflag:$0x3] =	sbarrier.arrive $0xFFFF;
	s2 =	simm.s32 @!p0 $0x1C02  }
0x198: {  	[timem:s3], [sflag:s2] =	dma.local @!p0 [hbm:s0], s1  }
0x199: {  	s0 =	simm.s32 @!p0 $0x2  }
0x19a: {  	_ =	swait.ge @!p0 [sflag:s0], s1  }
0x19b: {  	s1 =	ssub.s32 @!p0 $0x0, s1;
	[sflag:s0] =	ssyncset.done @!p0 $0x0  }
0x19c: {  	[sflag:s0] =	ssyncadd.s32 @!p0 s1  }
0x19d: {  	[bflag:$0x3] =	sbarrier.arrive $0xFFFF  }
0x19e: {  	_ =	shalt  }

</sc_bundles>
